<compile_context>
chip_gen: v7x
topology: tpu7x:2x2x1
jax: 0.10.2.dev20260603
libtpu: 0.0.44.dev20260713+nightly
codegen_flags: <defaults>
</compile_context>

<pallas_src>
import functools

import jax
import jax.numpy as jnp
import numpy as np
from jax import lax
from jax.experimental import pallas as pl
from jax.experimental.pallas import tpu as pltpu
from jax.experimental.pallas import tpu_sc as plsc

_VOCAB = 100000
_DIM = 64
_B = 4096
_L = 50
_NC = 2
_NS = 16
_NW = _NC * _NS
_BAGS_W = _B // _NW
_ROWS_W = _BAGS_W * _L
_DMA_ROWS = 64
_NIDX = _ROWS_W // _DMA_ROWS
_BAGS_C = 32
_NCHUNK = _BAGS_W // _BAGS_C
_ROWS_C = _BAGS_C * _L
_NDMA_C = _ROWS_C // _DMA_ROWS

_STORE_DIM = np.array(
    [8 * ((t & 15) & 7) + 2 * (t >> 4) + ((t & 15) >= 8) for t in range(64)],
    dtype=np.int32,
)
_UNSCRAMBLE = np.argsort(_STORE_DIM).astype(np.int32)


def _vgather(v, idxv):
    return lax.gather(
        v,
        idxv[:, None],
        lax.GatherDimensionNumbers(
            offset_dims=(), collapsed_slice_dims=(0,), start_index_map=(0,)
        ),
        slice_sizes=(1,),
        mode=lax.GatherScatterMode.PROMISE_IN_BOUNDS,
    )


def _sc_embed(qtab, luttab, idx3d):
    mesh = plsc.VectorSubcoreMesh(
        core_axis_name="c", subcore_axis_name="s", num_cores=_NC, num_subcores=_NS
    )

    @functools.partial(
        pl.kernel,
        out_type=jax.ShapeDtypeStruct((_B, _DIM), jnp.float32),
        mesh=mesh,
        scratch_types=[
            pltpu.VMEM((_NIDX, _DMA_ROWS), jnp.int32),
            pltpu.VMEM((2 * _ROWS_C, 16), jnp.int32),
            pltpu.VMEM((2 * _ROWS_C, 16), jnp.float32),
            pltpu.VMEM((_BAGS_W, _DIM), jnp.float32),
            pltpu.SemaphoreType.DMA,
            pltpu.SemaphoreType.DMA,
        ],
        compiler_params=pltpu.CompilerParams(use_tc_tiling_on_sc=False),
    )
    def body(qtab_h, lut_h, idx_h, out_h, idx_v, q_v, lut_v, out_v, sem0, sem1):
        wid = lax.axis_index("c") * _NS + lax.axis_index("s")

        pltpu.sync_copy(idx_h.at[wid], idx_v)

        lane = lax.iota(jnp.int32, 16)
        hi_half = lax.shift_right_logical(lane, 3)
        shifts = [(hi_half + 2 * j) * 4 for j in range(4)]
        fzero = jnp.zeros((16,), jnp.float32)
        sems = [sem0, sem1]

        def fire(c):
            par = c & 1
            sem = sems[par]

            def go(g, carry):
                ig = idx_v.at[c * _NDMA_C + g]
                dst = pl.ds((par * _ROWS_C + g * _DMA_ROWS), _DMA_ROWS)
                pltpu.async_copy(qtab_h.at[ig], q_v.at[dst], sem)
                pltpu.async_copy(lut_h.at[ig], lut_v.at[dst], sem)
                return carry

            lax.fori_loop(0, _NDMA_C, go, 0)

        def drain(c):
            par = c & 1
            sem = sems[par]

            def go(g, carry):
                src = qtab_h.at[idx_v.at[0]]
                dst = q_v.at[pl.ds(0, _DMA_ROWS)]
                pltpu.make_async_copy(src, dst, sem).wait()
                pltpu.make_async_copy(src, dst, sem).wait()
                return carry

            lax.fori_loop(0, _NDMA_C, go, 0)

        fire(0)
        for c in range(_NCHUNK):
            if c + 1 < _NCHUNK:
                fire(c + 1)
            drain(c)
            base = (c & 1) * _ROWS_C

            def bag_body(b, carry):
                def row_body(r, acc):
                    a0, a1, a2, a3 = acc
                    qv = q_v[base + r]
                    lv = lut_v[base + r]
                    n0 = lax.shift_right_logical(qv, shifts[0]) & 0xF
                    n1 = lax.shift_right_logical(qv, shifts[1]) & 0xF
                    n2 = lax.shift_right_logical(qv, shifts[2]) & 0xF
                    n3 = lax.shift_right_logical(qv, shifts[3]) & 0xF
                    return (
                        a0 + _vgather(lv, n0),
                        a1 + _vgather(lv, n1),
                        a2 + _vgather(lv, n2),
                        a3 + _vgather(lv, n3),
                    )

                a0, a1, a2, a3 = lax.fori_loop(
                    b * _L, (b + 1) * _L, row_body, (fzero, fzero, fzero, fzero)
                )
                bg = c * _BAGS_C + b
                out_v[bg, pl.ds(0, 16)] = a0
                out_v[bg, pl.ds(16, 16)] = a1
                out_v[bg, pl.ds(32, 16)] = a2
                out_v[bg, pl.ds(48, 16)] = a3
                return carry

            lax.fori_loop(0, _BAGS_C, bag_body, 0)

        pltpu.sync_copy(out_v, out_h.at[pl.ds(wid * _BAGS_W, _BAGS_W)])

    return body(qtab, luttab, idx3d)


def _repack_tables(weights):
    wb = weights[:, :32].reshape(_VOCAB, 8, 4).astype(jnp.uint32)
    words = wb[..., 0] | (wb[..., 1] << 8) | (wb[..., 2] << 16) | (wb[..., 3] << 24)
    qtab = lax.bitcast_convert_type(
        jnp.concatenate([words, words], axis=1), jnp.int32
    )
    scale = lax.bitcast_convert_type(weights[:, 32:34], jnp.float16).astype(
        jnp.float32
    )
    zero = lax.bitcast_convert_type(weights[:, 34:36], jnp.float16).astype(
        jnp.float32
    )
    luttab = zero[:, None] + scale[:, None] * jnp.arange(16, dtype=jnp.float32)
    return qtab, luttab


def kernel(weights, indices, offsets, other_tensor):
    del offsets
    qtab, luttab = _repack_tables(weights)
    idx3d = indices.reshape(_NW, _NIDX, _DMA_ROWS)
    eb = _sc_embed(qtab, luttab, idx3d)[:, _UNSCRAMBLE]
    return jnp.concatenate([eb, eb, other_tensor], axis=1)

# --- scband reference (transcript-rebuilt; emitter-appended) ---
"""Pipeline reference for scband-custom-model-quant-embedding-group-69458211111667 (READ-ONLY COPY).

The authoritative reference and input builder live on the scoring server;
editing this copy changes nothing except your own understanding.
"""

import jax, jax.numpy as jnp
import numpy as np

VOCAB = 100000
DIM = 64
B = 4096
L = 50


def _make_packed_table(rng):
    # 4-bit rowwise quantization layout: [DIM//2 packed uint8 nibbles | fp16 scale (2 bytes) | fp16 zero (2 bytes)]
    W = rng.standard_normal((VOCAB, DIM)).astype(np.float32)
    mn = W.min(axis=1, keepdims=True)
    mx = W.max(axis=1, keepdims=True)
    scale = ((mx - mn) / 15.0).astype(np.float16)
    scale = np.where(scale == 0, np.float16(1.0), scale)
    zero = mn.astype(np.float16)
    q = np.clip(np.rint((W - zero.astype(np.float32)) / scale.astype(np.float32)), 0, 15).astype(np.uint8)
    packed = (q[:, 0::2] | (q[:, 1::2] << 4)).astype(np.uint8)  # [VOCAB, DIM//2]
    sb = scale.view(np.uint8).reshape(VOCAB, 2)
    zb = zero.view(np.uint8).reshape(VOCAB, 2)
    return np.concatenate([packed, sb, zb], axis=1)  # [VOCAB, DIM//2 + 4]


def setup_inputs() -> dict:
    rng = np.random.default_rng(0)
    weights = jnp.asarray(_make_packed_table(rng))
    indices = jnp.asarray(rng.integers(0, VOCAB, size=(B * L,)).astype(np.int32))
    offsets = jnp.arange(0, B * L + 1, L, dtype=jnp.int32)  # include_last_offset=True -> B+1 entries
    other_tensor = jnp.asarray(rng.standard_normal((B, DIM)).astype(np.float32))
    return {"weights": weights, "indices": indices, "offsets": offsets, "other_tensor": other_tensor}


def _dequant_rows(rows):
    n = rows.shape[0]
    packed = rows[:, : DIM // 2]
    low = (packed & 0xF).astype(jnp.float32)
    high = ((packed >> 4) & 0xF).astype(jnp.float32)
    q = jnp.stack([low, high], axis=-1).reshape(n, DIM)
    scale = jax.lax.bitcast_convert_type(rows[:, DIM // 2 : DIM // 2 + 2], jnp.float16).astype(jnp.float32)[:, None]
    zero = jax.lax.bitcast_convert_type(rows[:, DIM // 2 + 2 : DIM // 2 + 4], jnp.float16).astype(jnp.float32)[:, None]
    return q * scale + zero


def _quant_embedding_bag(weights, indices, offsets):
    # mode=0 (sum), include_last_offset=True, output_dtype=float32
    rows = jnp.take(weights, indices, axis=0)
    vals = _dequant_rows(rows)
    n = indices.shape[0]
    seg = jnp.searchsorted(offsets, jnp.arange(n), side="right") - 1
    num_bags = offsets.shape[0] - 1
    return jax.ops.segment_sum(vals, seg, num_segments=num_bags)


def reference(weights, indices, offsets, other_tensor):
    eb1 = _quant_embedding_bag(weights, indices, offsets)
    eb2 = _quant_embedding_bag(weights, indices, offsets)
    # other_tensor_pos == -1 -> [eb1, eb2, other_tensor], cat_dim = 1
    return jnp.concatenate([eb1, eb2, other_tensor], axis=1)

if __name__ == "__main__":
    import jax
    _d = setup_inputs()
    print(jax.jit(kernel)(*tuple(_d.values())))

</pallas_src>

<mosaic_0001>
#map = affine_map<(d0, d1) -> (0, 0)>
#map1 = affine_map<(d0, d1) -> (0, 0, 0)>
module attributes {stable_mosaic.version = 14 : i64} {
  func.func @body(%arg0: i32, %arg1: i32, %arg2: memref<100000x16xi32, #tpu.memory_space<hbm>>, %arg3: memref<100000x16xf32, #tpu.memory_space<hbm>>, %arg4: memref<32x100x64xi32, #tpu.memory_space<hbm>>, %arg5: memref<4096x64xf32, #tpu.memory_space<hbm>>, %arg6: memref<100x64xi32, #tpu.memory_space<vmem>>, %arg7: memref<3200x16xi32, #tpu.memory_space<vmem>>, %arg8: memref<3200x16xf32, #tpu.memory_space<vmem>>, %arg9: memref<128x64xf32, #tpu.memory_space<vmem>>, %arg10: memref<!tpu.dma_semaphore, #tpu.memory_space<semaphore_mem>>, %arg11: memref<!tpu.dma_semaphore, #tpu.memory_space<semaphore_mem>>) attributes {dimension_semantics = [#tpu.dimension_semantics<core_parallel>, #tpu.dimension_semantics<subcore_parallel>], iteration_bounds = array<i64: 2, 16>, scalar_prefetch = 0 : i64, scratch_operands = 6 : i64, tpu.core_type = #tpu.core_type<sc_vector_subcore>, window_params = [{transform_indices = #map}, {transform_indices = #map}, {transform_indices = #map1}, {transform_indices = #map}]} {
    %mul3A = arith.constant 16 : i32
    %mul3A_0 = arith.muli %arg0, %mul3A : i32
    %add3A = arith.addi %mul3A_0, %arg1 : i32
    "tpu.region"() ({
      %run_scoped3A = tpu.sem_alloc : memref<!tpu.dma_semaphore, #tpu.memory_space<semaphore_mem>>
      %dma_start3A = arith.constant 0 : i32
      %dma_start3A_101 = arith.constant 0 : i32
      %dma_start3A_102 = tpu.memref_slice %arg4[%add3A, %dma_start3A, %dma_start3A_101] : memref<32x100x64xi32, #tpu.memory_space<hbm>> -> memref<1x100x64xi32, #tpu.memory_space<hbm>>
      %dma_start3A_103 = tpu.memref_squeeze %dma_start3A_102 : memref<1x100x64xi32, #tpu.memory_space<hbm>> -> memref<100x64xi32, #tpu.memory_space<hbm>>
      %dma_start3A_104 = arith.constant 0 : i32
      %dma_start3A_105 = arith.constant 0 : i32
      %dma_start3A_106 = tpu.memref_slice %arg4[%add3A, %dma_start3A_104, %dma_start3A_105] : memref<32x100x64xi32, #tpu.memory_space<hbm>> -> memref<1x100x64xi32, #tpu.memory_space<hbm>>
      %dma_start3A_107 = tpu.memref_squeeze %dma_start3A_106 : memref<1x100x64xi32, #tpu.memory_space<hbm>> -> memref<100x64xi32, #tpu.memory_space<hbm>>
      tpu.enqueue_dma source(%dma_start3A_107 : memref<100x64xi32, #tpu.memory_space<hbm>>) target(%arg6 : memref<100x64xi32, #tpu.memory_space<vmem>>) target_semaphore(%run_scoped3A : memref<!tpu.dma_semaphore, #tpu.memory_space<semaphore_mem>>)
      %dma_wait3A = arith.constant 0 : i32
      %dma_wait3A_108 = arith.constant 0 : i32
      %dma_wait3A_109 = tpu.memref_slice %arg4[%add3A, %dma_wait3A, %dma_wait3A_108] : memref<32x100x64xi32, #tpu.memory_space<hbm>> -> memref<1x100x64xi32, #tpu.memory_space<hbm>>
      %dma_wait3A_110 = tpu.memref_squeeze %dma_wait3A_109 : memref<1x100x64xi32, #tpu.memory_space<hbm>> -> memref<100x64xi32, #tpu.memory_space<hbm>>
      %dma_wait3A_111 = arith.constant 0 : i32
      %dma_wait3A_112 = arith.constant 0 : i32
      %dma_wait3A_113 = tpu.memref_slice %arg4[%add3A, %dma_wait3A_111, %dma_wait3A_112] : memref<32x100x64xi32, #tpu.memory_space<hbm>> -> memref<1x100x64xi32, #tpu.memory_space<hbm>>
      %dma_wait3A_114 = tpu.memref_squeeze %dma_wait3A_113 : memref<1x100x64xi32, #tpu.memory_space<hbm>> -> memref<100x64xi32, #tpu.memory_space<hbm>>
      tpu.wait_dma2 semaphore(%run_scoped3A : memref<!tpu.dma_semaphore, #tpu.memory_space<semaphore_mem>>) src(%dma_wait3A_114 : memref<100x64xi32, #tpu.memory_space<hbm>>) dst(%arg6 : memref<100x64xi32, #tpu.memory_space<vmem>>)
      tpu.yield
    }) : () -> ()
    %iota3A = tpu.iota {dimensions = array<i32: 0>} : vector<16xi32>
    %shift_right_logical3A = arith.constant 3 : i32
    %shift_right_logical3A_1 = vector.broadcast %shift_right_logical3A : i32 to vector<16xi32>
    %shift_right_logical3A_2 = arith.shrui %iota3A, %shift_right_logical3A_1 : vector<16xi32>
    %add3A_3 = arith.constant 0 : i32
    %add3A_4 = vector.broadcast %add3A_3 : i32 to vector<16xi32>
    %add3A_5 = arith.addi %shift_right_logical3A_2, %add3A_4 : vector<16xi32>
    %mul3A_6 = arith.constant 4 : i32
    %mul3A_7 = vector.broadcast %mul3A_6 : i32 to vector<16xi32>
    %mul3A_8 = arith.muli %add3A_5, %mul3A_7 : vector<16xi32>
    %add3A_9 = arith.constant 2 : i32
    %add3A_10 = vector.broadcast %add3A_9 : i32 to vector<16xi32>
    %add3A_11 = arith.addi %shift_right_logical3A_2, %add3A_10 : vector<16xi32>
    %mul3A_12 = arith.constant 4 : i32
    %mul3A_13 = vector.broadcast %mul3A_12 : i32 to vector<16xi32>
    %mul3A_14 = arith.muli %add3A_11, %mul3A_13 : vector<16xi32>
    %add3A_15 = arith.constant 4 : i32
    %add3A_16 = vector.broadcast %add3A_15 : i32 to vector<16xi32>
    %add3A_17 = arith.addi %shift_right_logical3A_2, %add3A_16 : vector<16xi32>
    %mul3A_18 = arith.constant 4 : i32
    %mul3A_19 = vector.broadcast %mul3A_18 : i32 to vector<16xi32>
    %mul3A_20 = arith.muli %add3A_17, %mul3A_19 : vector<16xi32>
    %add3A_21 = arith.constant 6 : i32
    %add3A_22 = vector.broadcast %add3A_21 : i32 to vector<16xi32>
    %add3A_23 = arith.addi %shift_right_logical3A_2, %add3A_22 : vector<16xi32>
    %mul3A_24 = arith.constant 4 : i32
    %mul3A_25 = vector.broadcast %mul3A_24 : i32 to vector<16xi32>
    %mul3A_26 = arith.muli %add3A_23, %mul3A_25 : vector<16xi32>
    %broadcast_in_dim3A = arith.constant 0.000000e+00 : f32
    %broadcast_in_dim3A_27 = vector.broadcast %broadcast_in_dim3A : f32 to vector<16xf32>
    %scan3A = arith.constant 0 : i32
    %scan3A_28 = arith.constant 0 : i32
    %scan3A_29 = arith.constant 25 : i32
    %scan3A_30 = arith.addi %scan3A_28, %scan3A_29 : i32
    %scan3A_31 = arith.constant 1 : i32
    scf.for %scan3A_101 = %scan3A_28 to %scan3A_30 step %scan3A_31  : i32 {
      %add3A_102 = arith.constant 0 : i32
      %add3A_103 = arith.addi %add3A_102, %scan3A_101 : i32
      %mul3A_104 = arith.constant 64 : i32
      %mul3A_105 = arith.muli %scan3A_101, %mul3A_104 : i32
      %add3A_106 = arith.constant 0 : i32
      %add3A_107 = arith.addi %add3A_106, %mul3A_105 : i32
      %dma_start3A = arith.constant 0 : i32
      %dma_start3A_108 = tpu.memref_slice %arg7[%add3A_107, %dma_start3A] : memref<3200x16xi32, #tpu.memory_space<vmem>> -> memref<64x16xi32, #tpu.memory_space<vmem>>
      %dma_start3A_109 = arith.constant 0 : i32
      %dma_start3A_110 = tpu.memref_slice %arg6[%add3A_103, %dma_start3A_109] : memref<100x64xi32, #tpu.memory_space<vmem>> -> memref<1x64xi32, #tpu.memory_space<vmem>>
      %dma_start3A_111 = tpu.memref_squeeze %dma_start3A_110 : memref<1x64xi32, #tpu.memory_space<vmem>> -> memref<64xi32, #tpu.memory_space<vmem>>
      %dma_start3A_112 = arith.constant 0 : i32
      %dma_start3A_113 = arith.constant 0 : i32
      %dma_start3A_114 = tpu.memref_slice %arg2[%dma_start3A_112, %dma_start3A_113] : memref<100000x16xi32, #tpu.memory_space<hbm>> -> memref<100000x16xi32, #tpu.memory_space<hbm>>
      tpu.enqueue_indirect_dma source(%dma_start3A_114 : memref<100000x16xi32, #tpu.memory_space<hbm>>) target(%dma_start3A_108 : memref<64x16xi32, #tpu.memory_space<vmem>>) offsets(%dma_start3A_111 : memref<64xi32, #tpu.memory_space<vmem>>) semaphore(%arg10 : memref<!tpu.dma_semaphore, #tpu.memory_space<semaphore_mem>>)
      %dma_start3A_115 = arith.constant 0 : i32
      %dma_start3A_116 = tpu.memref_slice %arg8[%add3A_107, %dma_start3A_115] : memref<3200x16xf32, #tpu.memory_space<vmem>> -> memref<64x16xf32, #tpu.memory_space<vmem>>
      %dma_start3A_117 = arith.constant 0 : i32
      %dma_start3A_118 = tpu.memref_slice %arg6[%add3A_103, %dma_start3A_117] : memref<100x64xi32, #tpu.memory_space<vmem>> -> memref<1x64xi32, #tpu.memory_space<vmem>>
      %dma_start3A_119 = tpu.memref_squeeze %dma_start3A_118 : memref<1x64xi32, #tpu.memory_space<vmem>> -> memref<64xi32, #tpu.memory_space<vmem>>
      %dma_start3A_120 = arith.constant 0 : i32
      %dma_start3A_121 = arith.constant 0 : i32
      %dma_start3A_122 = tpu.memref_slice %arg3[%dma_start3A_120, %dma_start3A_121] : memref<100000x16xf32, #tpu.memory_space<hbm>> -> memref<100000x16xf32, #tpu.memory_space<hbm>>
      tpu.enqueue_indirect_dma source(%dma_start3A_122 : memref<100000x16xf32, #tpu.memory_space<hbm>>) target(%dma_start3A_116 : memref<64x16xf32, #tpu.memory_space<vmem>>) offsets(%dma_start3A_119 : memref<64xi32, #tpu.memory_space<vmem>>) semaphore(%arg10 : memref<!tpu.dma_semaphore, #tpu.memory_space<semaphore_mem>>)
    }
    %scan3A_32 = arith.constant 25 : i32
    %scan3A_33 = arith.constant 0 : i32
    %scan3A_34 = arith.constant 0 : i32
    %scan3A_35 = arith.constant 25 : i32
    %scan3A_36 = arith.addi %scan3A_34, %scan3A_35 : i32
    %scan3A_37 = arith.constant 1 : i32
    scf.for %scan3A_101 = %scan3A_34 to %scan3A_36 step %scan3A_37  : i32 {
      %add3A_102 = arith.constant 25 : i32
      %add3A_103 = arith.addi %add3A_102, %scan3A_101 : i32
      %mul3A_104 = arith.constant 64 : i32
      %mul3A_105 = arith.muli %scan3A_101, %mul3A_104 : i32
      %add3A_106 = arith.constant 1600 : i32
      %add3A_107 = arith.addi %add3A_106, %mul3A_105 : i32
      %dma_start3A = arith.constant 0 : i32
      %dma_start3A_108 = tpu.memref_slice %arg7[%add3A_107, %dma_start3A] : memref<3200x16xi32, #tpu.memory_space<vmem>> -> memref<64x16xi32, #tpu.memory_space<vmem>>
      %dma_start3A_109 = arith.constant 0 : i32
      %dma_start3A_110 = tpu.memref_slice %arg6[%add3A_103, %dma_start3A_109] : memref<100x64xi32, #tpu.memory_space<vmem>> -> memref<1x64xi32, #tpu.memory_space<vmem>>
      %dma_start3A_111 = tpu.memref_squeeze %dma_start3A_110 : memref<1x64xi32, #tpu.memory_space<vmem>> -> memref<64xi32, #tpu.memory_space<vmem>>
      %dma_start3A_112 = arith.constant 0 : i32
      %dma_start3A_113 = arith.constant 0 : i32
      %dma_start3A_114 = tpu.memref_slice %arg2[%dma_start3A_112, %dma_start3A_113] : memref<100000x16xi32, #tpu.memory_space<hbm>> -> memref<100000x16xi32, #tpu.memory_space<hbm>>
      tpu.enqueue_indirect_dma source(%dma_start3A_114 : memref<100000x16xi32, #tpu.memory_space<hbm>>) target(%dma_start3A_108 : memref<64x16xi32, #tpu.memory_space<vmem>>) offsets(%dma_start3A_111 : memref<64xi32, #tpu.memory_space<vmem>>) semaphore(%arg11 : memref<!tpu.dma_semaphore, #tpu.memory_space<semaphore_mem>>)
      %dma_start3A_115 = arith.constant 0 : i32
      %dma_start3A_116 = tpu.memref_slice %arg8[%add3A_107, %dma_start3A_115] : memref<3200x16xf32, #tpu.memory_space<vmem>> -> memref<64x16xf32, #tpu.memory_space<vmem>>
      %dma_start3A_117 = arith.constant 0 : i32
      %dma_start3A_118 = tpu.memref_slice %arg6[%add3A_103, %dma_start3A_117] : memref<100x64xi32, #tpu.memory_space<vmem>> -> memref<1x64xi32, #tpu.memory_space<vmem>>
      %dma_start3A_119 = tpu.memref_squeeze %dma_start3A_118 : memref<1x64xi32, #tpu.memory_space<vmem>> -> memref<64xi32, #tpu.memory_space<vmem>>
      %dma_start3A_120 = arith.constant 0 : i32
      %dma_start3A_121 = arith.constant 0 : i32
      %dma_start3A_122 = tpu.memref_slice %arg3[%dma_start3A_120, %dma_start3A_121] : memref<100000x16xf32, #tpu.memory_space<hbm>> -> memref<100000x16xf32, #tpu.memory_space<hbm>>
      tpu.enqueue_indirect_dma source(%dma_start3A_122 : memref<100000x16xf32, #tpu.memory_space<hbm>>) target(%dma_start3A_116 : memref<64x16xf32, #tpu.memory_space<vmem>>) offsets(%dma_start3A_119 : memref<64xi32, #tpu.memory_space<vmem>>) semaphore(%arg11 : memref<!tpu.dma_semaphore, #tpu.memory_space<semaphore_mem>>)
    }
    %scan3A_38 = arith.constant 25 : i32
    %scan3A_39 = arith.constant 0 : i32
    %scan3A_40 = arith.constant 0 : i32
    %scan3A_41 = arith.constant 25 : i32
    %scan3A_42 = arith.addi %scan3A_40, %scan3A_41 : i32
    %scan3A_43 = arith.constant 1 : i32
    scf.for %scan3A_101 = %scan3A_40 to %scan3A_42 step %scan3A_43  : i32 {
      %dma_wait3A = arith.constant 0 : i32
      %dma_wait3A_102 = arith.constant 0 : i32
      %dma_wait3A_103 = arith.constant 0 : i32
      %dma_wait3A_104 = tpu.memref_slice %arg7[%dma_wait3A_102, %dma_wait3A_103] : memref<3200x16xi32, #tpu.memory_space<vmem>> -> memref<64x16xi32, #tpu.memory_space<vmem>>
      %dma_wait3A_105 = arith.constant 0 : i32
      %dma_wait3A_106 = tpu.memref_slice %arg6[%dma_wait3A, %dma_wait3A_105] : memref<100x64xi32, #tpu.memory_space<vmem>> -> memref<1x64xi32, #tpu.memory_space<vmem>>
      %dma_wait3A_107 = tpu.memref_squeeze %dma_wait3A_106 : memref<1x64xi32, #tpu.memory_space<vmem>> -> memref<64xi32, #tpu.memory_space<vmem>>
      %dma_wait3A_108 = arith.constant 0 : i32
      %dma_wait3A_109 = arith.constant 0 : i32
      %dma_wait3A_110 = tpu.memref_slice %arg2[%dma_wait3A_108, %dma_wait3A_109] : memref<100000x16xi32, #tpu.memory_space<hbm>> -> memref<100000x16xi32, #tpu.memory_space<hbm>>
      tpu.wait_indirect_dma semaphore(%arg10 : memref<!tpu.dma_semaphore, #tpu.memory_space<semaphore_mem>>) src(%dma_wait3A_110 : memref<100000x16xi32, #tpu.memory_space<hbm>>) dst(%dma_wait3A_104 : memref<64x16xi32, #tpu.memory_space<vmem>>)
      %dma_wait3A_111 = arith.constant 0 : i32
      %dma_wait3A_112 = arith.constant 0 : i32
      %dma_wait3A_113 = arith.constant 0 : i32
      %dma_wait3A_114 = tpu.memref_slice %arg7[%dma_wait3A_112, %dma_wait3A_113] : memref<3200x16xi32, #tpu.memory_space<vmem>> -> memref<64x16xi32, #tpu.memory_space<vmem>>
      %dma_wait3A_115 = arith.constant 0 : i32
      %dma_wait3A_116 = tpu.memref_slice %arg6[%dma_wait3A_111, %dma_wait3A_115] : memref<100x64xi32, #tpu.memory_space<vmem>> -> memref<1x64xi32, #tpu.memory_space<vmem>>
      %dma_wait3A_117 = tpu.memref_squeeze %dma_wait3A_116 : memref<1x64xi32, #tpu.memory_space<vmem>> -> memref<64xi32, #tpu.memory_space<vmem>>
      %dma_wait3A_118 = arith.constant 0 : i32
      %dma_wait3A_119 = arith.constant 0 : i32
      %dma_wait3A_120 = tpu.memref_slice %arg2[%dma_wait3A_118, %dma_wait3A_119] : memref<100000x16xi32, #tpu.memory_space<hbm>> -> memref<100000x16xi32, #tpu.memory_space<hbm>>
      tpu.wait_indirect_dma semaphore(%arg10 : memref<!tpu.dma_semaphore, #tpu.memory_space<semaphore_mem>>) src(%dma_wait3A_120 : memref<100000x16xi32, #tpu.memory_space<hbm>>) dst(%dma_wait3A_114 : memref<64x16xi32, #tpu.memory_space<vmem>>)
    }
    %scan3A_44 = arith.constant 25 : i32
    %scan3A_45 = arith.constant 0 : i32
    %scan3A_46 = arith.constant 0 : i32
    %scan3A_47 = arith.constant 32 : i32
    %scan3A_48 = arith.addi %scan3A_46, %scan3A_47 : i32
    %scan3A_49 = arith.constant 1 : i32
    scf.for %scan3A_101 = %scan3A_46 to %scan3A_48 step %scan3A_49  : i32 {
      %mul3A_102 = arith.constant 50 : i32
      %mul3A_103 = arith.muli %scan3A_101, %mul3A_102 : i32
      %add3A_104 = arith.constant 1 : i32
      %add3A_105 = arith.addi %scan3A_101, %add3A_104 : i32
      %mul3A_106 = arith.constant 50 : i32
      %mul3A_107 = arith.muli %add3A_105, %mul3A_106 : i32
      %while3A = arith.subi %mul3A_107, %mul3A_103 : i32
      %while3A_108 = arith.addi %mul3A_103, %while3A : i32
      %while3A_109 = arith.constant 1 : i32
      %while3A_110 = arith.divsi %while3A, %while3A_109 : i32
      %while3A_111 = arith.muli %while3A_110, %while3A_109 : i32
      %while3A_112 = arith.addi %mul3A_103, %while3A_111 : i32
      %while3A_113 = arith.constant 1 : i32
      %while3A_114:4 = scf.for %while3A_138 = %mul3A_103 to %while3A_112 step %while3A_113 iter_args(%while3A_139 = %broadcast_in_dim3A_27, %while3A_140 = %broadcast_in_dim3A_27, %while3A_141 = %broadcast_in_dim3A_27, %while3A_142 = %broadcast_in_dim3A_27) -> (vector<16xf32>, vector<16xf32>, vector<16xf32>, vector<16xf32>)  : i32 {
        %add3A_143 = arith.constant 0 : i32
        %add3A_144 = arith.addi %add3A_143, %while3A_138 : i32
        %get3A = arith.index_cast %add3A_144 : i32 to index
        %get3A_145 = arith.constant 0 : index
        %get3A_146 = tpu.vector_load %arg7[%get3A, %get3A_145] {strides = array<i32>} : memref<3200x16xi32, #tpu.memory_space<vmem>>, vector<1x16xi32>,
        %get3A_147 = vector.shape_cast %get3A_146 : vector<1x16xi32> to vector<16xi32>
        %add3A_148 = arith.constant 0 : i32
        %add3A_149 = arith.addi %add3A_148, %while3A_138 : i32
        %get3A_150 = arith.index_cast %add3A_149 : i32 to index
        %get3A_151 = arith.constant 0 : index
        %get3A_152 = tpu.vector_load %arg8[%get3A_150, %get3A_151] {strides = array<i32>} : memref<3200x16xf32, #tpu.memory_space<vmem>>, vector<1x16xf32>,
        %get3A_153 = vector.shape_cast %get3A_152 : vector<1x16xf32> to vector<16xf32>
        %shift_right_logical3A_154 = arith.shrui %get3A_147, %mul3A_8 : vector<16xi32>
        %and3A = arith.constant 15 : i32
        %and3A_155 = vector.broadcast %and3A : i32 to vector<16xi32>
        %and3A_156 = arith.andi %shift_right_logical3A_154, %and3A_155 : vector<16xi32>
        %shift_right_logical3A_157 = arith.shrui %get3A_147, %mul3A_14 : vector<16xi32>
        %and3A_158 = arith.constant 15 : i32
        %and3A_159 = vector.broadcast %and3A_158 : i32 to vector<16xi32>
        %and3A_160 = arith.andi %shift_right_logical3A_157, %and3A_159 : vector<16xi32>
        %shift_right_logical3A_161 = arith.shrui %get3A_147, %mul3A_20 : vector<16xi32>
        %and3A_162 = arith.constant 15 : i32
        %and3A_163 = vector.broadcast %and3A_162 : i32 to vector<16xi32>
        %and3A_164 = arith.andi %shift_right_logical3A_161, %and3A_163 : vector<16xi32>
        %shift_right_logical3A_165 = arith.shrui %get3A_147, %mul3A_26 : vector<16xi32>
        %and3A_166 = arith.constant 15 : i32
        %and3A_167 = vector.broadcast %and3A_166 : i32 to vector<16xi32>
        %and3A_168 = arith.andi %shift_right_logical3A_165, %and3A_167 : vector<16xi32>
        %broadcast_in_dim3A_169 = vector.shape_cast %and3A_156 : vector<16xi32> to vector<16x1xi32>
        %gather3A = vector.shape_cast %broadcast_in_dim3A_169 : vector<16x1xi32> to vector<16xi32>
        %gather3A_170 = tpu.dynamic_gather %get3A_153[%gather3A] in [0] : vector<16xf32>, vector<16xi32> -> vector<16xf32>
        %add3A_171 = arith.addf %while3A_139, %gather3A_170 : vector<16xf32>
        %broadcast_in_dim3A_172 = vector.shape_cast %and3A_160 : vector<16xi32> to vector<16x1xi32>
        %gather3A_173 = vector.shape_cast %broadcast_in_dim3A_172 : vector<16x1xi32> to vector<16xi32>
        %gather3A_174 = tpu.dynamic_gather %get3A_153[%gather3A_173] in [0] : vector<16xf32>, vector<16xi32> -> vector<16xf32>
        %add3A_175 = arith.addf %while3A_140, %gather3A_174 : vector<16xf32>
        %broadcast_in_dim3A_176 = vector.shape_cast %and3A_164 : vector<16xi32> to vector<16x1xi32>
        %gather3A_177 = vector.shape_cast %broadcast_in_dim3A_176 : vector<16x1xi32> to vector<16xi32>
        %gather3A_178 = tpu.dynamic_gather %get3A_153[%gather3A_177] in [0] : vector<16xf32>, vector<16xi32> -> vector<16xf32>
        %add3A_179 = arith.addf %while3A_141, %gather3A_178 : vector<16xf32>
        %broadcast_in_dim3A_180 = vector.shape_cast %and3A_168 : vector<16xi32> to vector<16x1xi32>
        %gather3A_181 = vector.shape_cast %broadcast_in_dim3A_180 : vector<16x1xi32> to vector<16xi32>
        %gather3A_182 = tpu.dynamic_gather %get3A_153[%gather3A_181] in [0] : vector<16xf32>, vector<16xi32> -> vector<16xf32>
        %add3A_183 = arith.addf %while3A_142, %gather3A_182 : vector<16xf32>
        scf.yield %add3A_171, %add3A_175, %add3A_179, %add3A_183 : vector<16xf32>, vector<16xf32>, vector<16xf32>, vector<16xf32>
      }
      %while3A_115 = arith.constant 1 : i32
      %while3A_116:4 = scf.for %while3A_138 = %while3A_112 to %while3A_108 step %while3A_115 iter_args(%while3A_139 = %while3A_114#0, %while3A_140 = %while3A_114#1, %while3A_141 = %while3A_114#2, %while3A_142 = %while3A_114#3) -> (vector<16xf32>, vector<16xf32>, vector<16xf32>, vector<16xf32>)  : i32 {
        %add3A_143 = arith.constant 0 : i32
        %add3A_144 = arith.addi %add3A_143, %while3A_138 : i32
        %get3A = arith.index_cast %add3A_144 : i32 to index
        %get3A_145 = arith.constant 0 : index
        %get3A_146 = tpu.vector_load %arg7[%get3A, %get3A_145] {strides = array<i32>} : memref<3200x16xi32, #tpu.memory_space<vmem>>, vector<1x16xi32>,
        %get3A_147 = vector.shape_cast %get3A_146 : vector<1x16xi32> to vector<16xi32>
        %add3A_148 = arith.constant 0 : i32
        %add3A_149 = arith.addi %add3A_148, %while3A_138 : i32
        %get3A_150 = arith.index_cast %add3A_149 : i32 to index
        %get3A_151 = arith.constant 0 : index
        %get3A_152 = tpu.vector_load %arg8[%get3A_150, %get3A_151] {strides = array<i32>} : memref<3200x16xf32, #tpu.memory_space<vmem>>, vector<1x16xf32>,
        %get3A_153 = vector.shape_cast %get3A_152 : vector<1x16xf32> to vector<16xf32>
        %shift_right_logical3A_154 = arith.shrui %get3A_147, %mul3A_8 : vector<16xi32>
        %and3A = arith.constant 15 : i32
        %and3A_155 = vector.broadcast %and3A : i32 to vector<16xi32>
        %and3A_156 = arith.andi %shift_right_logical3A_154, %and3A_155 : vector<16xi32>
        %shift_right_logical3A_157 = arith.shrui %get3A_147, %mul3A_14 : vector<16xi32>
        %and3A_158 = arith.constant 15 : i32
        %and3A_159 = vector.broadcast %and3A_158 : i32 to vector<16xi32>
        %and3A_160 = arith.andi %shift_right_logical3A_157, %and3A_159 : vector<16xi32>
        %shift_right_logical3A_161 = arith.shrui %get3A_147, %mul3A_20 : vector<16xi32>
        %and3A_162 = arith.constant 15 : i32
        %and3A_163 = vector.broadcast %and3A_162 : i32 to vector<16xi32>
        %and3A_164 = arith.andi %shift_right_logical3A_161, %and3A_163 : vector<16xi32>
        %shift_right_logical3A_165 = arith.shrui %get3A_147, %mul3A_26 : vector<16xi32>
        %and3A_166 = arith.constant 15 : i32
        %and3A_167 = vector.broadcast %and3A_166 : i32 to vector<16xi32>
        %and3A_168 = arith.andi %shift_right_logical3A_165, %and3A_167 : vector<16xi32>
        %broadcast_in_dim3A_169 = vector.shape_cast %and3A_156 : vector<16xi32> to vector<16x1xi32>
        %gather3A = vector.shape_cast %broadcast_in_dim3A_169 : vector<16x1xi32> to vector<16xi32>
        %gather3A_170 = tpu.dynamic_gather %get3A_153[%gather3A] in [0] : vector<16xf32>, vector<16xi32> -> vector<16xf32>
        %add3A_171 = arith.addf %while3A_139, %gather3A_170 : vector<16xf32>
        %broadcast_in_dim3A_172 = vector.shape_cast %and3A_160 : vector<16xi32> to vector<16x1xi32>
        %gather3A_173 = vector.shape_cast %broadcast_in_dim3A_172 : vector<16x1xi32> to vector<16xi32>
        %gather3A_174 = tpu.dynamic_gather %get3A_153[%gather3A_173] in [0] : vector<16xf32>, vector<16xi32> -> vector<16xf32>
        %add3A_175 = arith.addf %while3A_140, %gather3A_174 : vector<16xf32>
        %broadcast_in_dim3A_176 = vector.shape_cast %and3A_164 : vector<16xi32> to vector<16x1xi32>
        %gather3A_177 = vector.shape_cast %broadcast_in_dim3A_176 : vector<16x1xi32> to vector<16xi32>
        %gather3A_178 = tpu.dynamic_gather %get3A_153[%gather3A_177] in [0] : vector<16xf32>, vector<16xi32> -> vector<16xf32>
        %add3A_179 = arith.addf %while3A_141, %gather3A_178 : vector<16xf32>
        %broadcast_in_dim3A_180 = vector.shape_cast %and3A_168 : vector<16xi32> to vector<16x1xi32>
        %gather3A_181 = vector.shape_cast %broadcast_in_dim3A_180 : vector<16x1xi32> to vector<16xi32>
        %gather3A_182 = tpu.dynamic_gather %get3A_153[%gather3A_181] in [0] : vector<16xf32>, vector<16xi32> -> vector<16xf32>
        %add3A_183 = arith.addf %while3A_142, %gather3A_182 : vector<16xf32>
        scf.yield %add3A_171, %add3A_175, %add3A_179, %add3A_183 : vector<16xf32>, vector<16xf32>, vector<16xf32>, vector<16xf32>
      }
      %add3A_117 = arith.constant 0 : i32
      %add3A_118 = arith.addi %add3A_117, %scan3A_101 : i32
      %swap3A = arith.index_cast %add3A_118 : i32 to index
      %swap3A_119 = arith.constant 0 : index
      %swap3A_120 = tpu.vector_load %arg9[%swap3A, %swap3A_119] {strides = array<i32>} : memref<128x64xf32, #tpu.memory_space<vmem>>, vector<1x16xf32>,
      %swap3A_121 = vector.shape_cast %swap3A_120 : vector<1x16xf32> to vector<16xf32>
      %swap3A_122 = vector.shape_cast %while3A_116#0 : vector<16xf32> to vector<1x16xf32>
      tpu.vector_store %arg9[%swap3A, %swap3A_119], %swap3A_122 {strides = array<i32>} : memref<128x64xf32, #tpu.memory_space<vmem>>, vector<1x16xf32>,
      %swap3A_123 = arith.index_cast %add3A_118 : i32 to index
      %swap3A_124 = arith.constant 16 : index
      %swap3A_125 = tpu.vector_load %arg9[%swap3A_123, %swap3A_124] {strides = array<i32>} : memref<128x64xf32, #tpu.memory_space<vmem>>, vector<1x16xf32>,
      %swap3A_126 = vector.shape_cast %swap3A_125 : vector<1x16xf32> to vector<16xf32>
      %swap3A_127 = vector.shape_cast %while3A_116#1 : vector<16xf32> to vector<1x16xf32>
      tpu.vector_store %arg9[%swap3A_123, %swap3A_124], %swap3A_127 {strides = array<i32>} : memref<128x64xf32, #tpu.memory_space<vmem>>, vector<1x16xf32>,
      %swap3A_128 = arith.index_cast %add3A_118 : i32 to index
      %swap3A_129 = arith.constant 32 : index
      %swap3A_130 = tpu.vector_load %arg9[%swap3A_128, %swap3A_129] {strides = array<i32>} : memref<128x64xf32, #tpu.memory_space<vmem>>, vector<1x16xf32>,
      %swap3A_131 = vector.shape_cast %swap3A_130 : vector<1x16xf32> to vector<16xf32>
      %swap3A_132 = vector.shape_cast %while3A_116#2 : vector<16xf32> to vector<1x16xf32>
      tpu.vector_store %arg9[%swap3A_128, %swap3A_129], %swap3A_132 {strides = array<i32>} : memref<128x64xf32, #tpu.memory_space<vmem>>, vector<1x16xf32>,
      %swap3A_133 = arith.index_cast %add3A_118 : i32 to index
      %swap3A_134 = arith.constant 48 : index
      %swap3A_135 = tpu.vector_load %arg9[%swap3A_133, %swap3A_134] {strides = array<i32>} : memref<128x64xf32, #tpu.memory_space<vmem>>, vector<1x16xf32>,
      %swap3A_136 = vector.shape_cast %swap3A_135 : vector<1x16xf32> to vector<16xf32>
      %swap3A_137 = vector.shape_cast %while3A_116#3 : vector<16xf32> to vector<1x16xf32>
      tpu.vector_store %arg9[%swap3A_133, %swap3A_134], %swap3A_137 {strides = array<i32>} : memref<128x64xf32, #tpu.memory_space<vmem>>, vector<1x16xf32>,
    }
    %scan3A_50 = arith.constant 32 : i32
    %scan3A_51 = arith.constant 0 : i32
    %scan3A_52 = arith.constant 0 : i32
    %scan3A_53 = arith.constant 25 : i32
    %scan3A_54 = arith.addi %scan3A_52, %scan3A_53 : i32
    %scan3A_55 = arith.constant 1 : i32
    scf.for %scan3A_101 = %scan3A_52 to %scan3A_54 step %scan3A_55  : i32 {
      %add3A_102 = arith.constant 50 : i32
      %add3A_103 = arith.addi %add3A_102, %scan3A_101 : i32
      %mul3A_104 = arith.constant 64 : i32
      %mul3A_105 = arith.muli %scan3A_101, %mul3A_104 : i32
      %add3A_106 = arith.constant 0 : i32
      %add3A_107 = arith.addi %add3A_106, %mul3A_105 : i32
      %dma_start3A = arith.constant 0 : i32
      %dma_start3A_108 = tpu.memref_slice %arg7[%add3A_107, %dma_start3A] : memref<3200x16xi32, #tpu.memory_space<vmem>> -> memref<64x16xi32, #tpu.memory_space<vmem>>
      %dma_start3A_109 = arith.constant 0 : i32
      %dma_start3A_110 = tpu.memref_slice %arg6[%add3A_103, %dma_start3A_109] : memref<100x64xi32, #tpu.memory_space<vmem>> -> memref<1x64xi32, #tpu.memory_space<vmem>>
      %dma_start3A_111 = tpu.memref_squeeze %dma_start3A_110 : memref<1x64xi32, #tpu.memory_space<vmem>> -> memref<64xi32, #tpu.memory_space<vmem>>
      %dma_start3A_112 = arith.constant 0 : i32
      %dma_start3A_113 = arith.constant 0 : i32
      %dma_start3A_114 = tpu.memref_slice %arg2[%dma_start3A_112, %dma_start3A_113] : memref<100000x16xi32, #tpu.memory_space<hbm>> -> memref<100000x16xi32, #tpu.memory_space<hbm>>
      tpu.enqueue_indirect_dma source(%dma_start3A_114 : memref<100000x16xi32, #tpu.memory_space<hbm>>) target(%dma_start3A_108 : memref<64x16xi32, #tpu.memory_space<vmem>>) offsets(%dma_start3A_111 : memref<64xi32, #tpu.memory_space<vmem>>) semaphore(%arg10 : memref<!tpu.dma_semaphore, #tpu.memory_space<semaphore_mem>>)
      %dma_start3A_115 = arith.constant 0 : i32
      %dma_start3A_116 = tpu.memref_slice %arg8[%add3A_107, %dma_start3A_115] : memref<3200x16xf32, #tpu.memory_space<vmem>> -> memref<64x16xf32, #tpu.memory_space<vmem>>
      %dma_start3A_117 = arith.constant 0 : i32
      %dma_start3A_118 = tpu.memref_slice %arg6[%add3A_103, %dma_start3A_117] : memref<100x64xi32, #tpu.memory_space<vmem>> -> memref<1x64xi32, #tpu.memory_space<vmem>>
      %dma_start3A_119 = tpu.memref_squeeze %dma_start3A_118 : memref<1x64xi32, #tpu.memory_space<vmem>> -> memref<64xi32, #tpu.memory_space<vmem>>
      %dma_start3A_120 = arith.constant 0 : i32
      %dma_start3A_121 = arith.constant 0 : i32
      %dma_start3A_122 = tpu.memref_slice %arg3[%dma_start3A_120, %dma_start3A_121] : memref<100000x16xf32, #tpu.memory_space<hbm>> -> memref<100000x16xf32, #tpu.memory_space<hbm>>
      tpu.enqueue_indirect_dma source(%dma_start3A_122 : memref<100000x16xf32, #tpu.memory_space<hbm>>) target(%dma_start3A_116 : memref<64x16xf32, #tpu.memory_space<vmem>>) offsets(%dma_start3A_119 : memref<64xi32, #tpu.memory_space<vmem>>) semaphore(%arg10 : memref<!tpu.dma_semaphore, #tpu.memory_space<semaphore_mem>>)
    }
    %scan3A_56 = arith.constant 25 : i32
    %scan3A_57 = arith.constant 0 : i32
    %scan3A_58 = arith.constant 0 : i32
    %scan3A_59 = arith.constant 25 : i32
    %scan3A_60 = arith.addi %scan3A_58, %scan3A_59 : i32
    %scan3A_61 = arith.constant 1 : i32
    scf.for %scan3A_101 = %scan3A_58 to %scan3A_60 step %scan3A_61  : i32 {
      %dma_wait3A = arith.constant 0 : i32
      %dma_wait3A_102 = arith.constant 0 : i32
      %dma_wait3A_103 = arith.constant 0 : i32
      %dma_wait3A_104 = tpu.memref_slice %arg7[%dma_wait3A_102, %dma_wait3A_103] : memref<3200x16xi32, #tpu.memory_space<vmem>> -> memref<64x16xi32, #tpu.memory_space<vmem>>
      %dma_wait3A_105 = arith.constant 0 : i32
      %dma_wait3A_106 = tpu.memref_slice %arg6[%dma_wait3A, %dma_wait3A_105] : memref<100x64xi32, #tpu.memory_space<vmem>> -> memref<1x64xi32, #tpu.memory_space<vmem>>
      %dma_wait3A_107 = tpu.memref_squeeze %dma_wait3A_106 : memref<1x64xi32, #tpu.memory_space<vmem>> -> memref<64xi32, #tpu.memory_space<vmem>>
      %dma_wait3A_108 = arith.constant 0 : i32
      %dma_wait3A_109 = arith.constant 0 : i32
      %dma_wait3A_110 = tpu.memref_slice %arg2[%dma_wait3A_108, %dma_wait3A_109] : memref<100000x16xi32, #tpu.memory_space<hbm>> -> memref<100000x16xi32, #tpu.memory_space<hbm>>
      tpu.wait_indirect_dma semaphore(%arg11 : memref<!tpu.dma_semaphore, #tpu.memory_space<semaphore_mem>>) src(%dma_wait3A_110 : memref<100000x16xi32, #tpu.memory_space<hbm>>) dst(%dma_wait3A_104 : memref<64x16xi32, #tpu.memory_space<vmem>>)
      %dma_wait3A_111 = arith.constant 0 : i32
      %dma_wait3A_112 = arith.constant 0 : i32
      %dma_wait3A_113 = arith.constant 0 : i32
      %dma_wait3A_114 = tpu.memref_slice %arg7[%dma_wait3A_112, %dma_wait3A_113] : memref<3200x16xi32, #tpu.memory_space<vmem>> -> memref<64x16xi32, #tpu.memory_space<vmem>>
      %dma_wait3A_115 = arith.constant 0 : i32
      %dma_wait3A_116 = tpu.memref_slice %arg6[%dma_wait3A_111, %dma_wait3A_115] : memref<100x64xi32, #tpu.memory_space<vmem>> -> memref<1x64xi32, #tpu.memory_space<vmem>>
      %dma_wait3A_117 = tpu.memref_squeeze %dma_wait3A_116 : memref<1x64xi32, #tpu.memory_space<vmem>> -> memref<64xi32, #tpu.memory_space<vmem>>
      %dma_wait3A_118 = arith.constant 0 : i32
      %dma_wait3A_119 = arith.constant 0 : i32
      %dma_wait3A_120 = tpu.memref_slice %arg2[%dma_wait3A_118, %dma_wait3A_119] : memref<100000x16xi32, #tpu.memory_space<hbm>> -> memref<100000x16xi32, #tpu.memory_space<hbm>>
      tpu.wait_indirect_dma semaphore(%arg11 : memref<!tpu.dma_semaphore, #tpu.memory_space<semaphore_mem>>) src(%dma_wait3A_120 : memref<100000x16xi32, #tpu.memory_space<hbm>>) dst(%dma_wait3A_114 : memref<64x16xi32, #tpu.memory_space<vmem>>)
    }
    %scan3A_62 = arith.constant 25 : i32
    %scan3A_63 = arith.constant 0 : i32
    %scan3A_64 = arith.constant 0 : i32
    %scan3A_65 = arith.constant 32 : i32
    %scan3A_66 = arith.addi %scan3A_64, %scan3A_65 : i32
    %scan3A_67 = arith.constant 1 : i32
    scf.for %scan3A_101 = %scan3A_64 to %scan3A_66 step %scan3A_67  : i32 {
      %mul3A_102 = arith.constant 50 : i32
      %mul3A_103 = arith.muli %scan3A_101, %mul3A_102 : i32
      %add3A_104 = arith.constant 1 : i32
      %add3A_105 = arith.addi %scan3A_101, %add3A_104 : i32
      %mul3A_106 = arith.constant 50 : i32
      %mul3A_107 = arith.muli %add3A_105, %mul3A_106 : i32
      %while3A = arith.subi %mul3A_107, %mul3A_103 : i32
      %while3A_108 = arith.addi %mul3A_103, %while3A : i32
      %while3A_109 = arith.constant 1 : i32
      %while3A_110 = arith.divsi %while3A, %while3A_109 : i32
      %while3A_111 = arith.muli %while3A_110, %while3A_109 : i32
      %while3A_112 = arith.addi %mul3A_103, %while3A_111 : i32
      %while3A_113 = arith.constant 1 : i32
      %while3A_114:4 = scf.for %while3A_138 = %mul3A_103 to %while3A_112 step %while3A_113 iter_args(%while3A_139 = %broadcast_in_dim3A_27, %while3A_140 = %broadcast_in_dim3A_27, %while3A_141 = %broadcast_in_dim3A_27, %while3A_142 = %broadcast_in_dim3A_27) -> (vector<16xf32>, vector<16xf32>, vector<16xf32>, vector<16xf32>)  : i32 {
        %add3A_143 = arith.constant 1600 : i32
        %add3A_144 = arith.addi %add3A_143, %while3A_138 : i32
        %get3A = arith.index_cast %add3A_144 : i32 to index
        %get3A_145 = arith.constant 0 : index
        %get3A_146 = tpu.vector_load %arg7[%get3A, %get3A_145] {strides = array<i32>} : memref<3200x16xi32, #tpu.memory_space<vmem>>, vector<1x16xi32>,
        %get3A_147 = vector.shape_cast %get3A_146 : vector<1x16xi32> to vector<16xi32>
        %add3A_148 = arith.constant 1600 : i32
        %add3A_149 = arith.addi %add3A_148, %while3A_138 : i32
        %get3A_150 = arith.index_cast %add3A_149 : i32 to index
        %get3A_151 = arith.constant 0 : index
        %get3A_152 = tpu.vector_load %arg8[%get3A_150, %get3A_151] {strides = array<i32>} : memref<3200x16xf32, #tpu.memory_space<vmem>>, vector<1x16xf32>,
        %get3A_153 = vector.shape_cast %get3A_152 : vector<1x16xf32> to vector<16xf32>
        %shift_right_logical3A_154 = arith.shrui %get3A_147, %mul3A_8 : vector<16xi32>
        %and3A = arith.constant 15 : i32
        %and3A_155 = vector.broadcast %and3A : i32 to vector<16xi32>
        %and3A_156 = arith.andi %shift_right_logical3A_154, %and3A_155 : vector<16xi32>
        %shift_right_logical3A_157 = arith.shrui %get3A_147, %mul3A_14 : vector<16xi32>
        %and3A_158 = arith.constant 15 : i32
        %and3A_159 = vector.broadcast %and3A_158 : i32 to vector<16xi32>
        %and3A_160 = arith.andi %shift_right_logical3A_157, %and3A_159 : vector<16xi32>
        %shift_right_logical3A_161 = arith.shrui %get3A_147, %mul3A_20 : vector<16xi32>
        %and3A_162 = arith.constant 15 : i32
        %and3A_163 = vector.broadcast %and3A_162 : i32 to vector<16xi32>
        %and3A_164 = arith.andi %shift_right_logical3A_161, %and3A_163 : vector<16xi32>
        %shift_right_logical3A_165 = arith.shrui %get3A_147, %mul3A_26 : vector<16xi32>
        %and3A_166 = arith.constant 15 : i32
        %and3A_167 = vector.broadcast %and3A_166 : i32 to vector<16xi32>
        %and3A_168 = arith.andi %shift_right_logical3A_165, %and3A_167 : vector<16xi32>
        %broadcast_in_dim3A_169 = vector.shape_cast %and3A_156 : vector<16xi32> to vector<16x1xi32>
        %gather3A = vector.shape_cast %broadcast_in_dim3A_169 : vector<16x1xi32> to vector<16xi32>
        %gather3A_170 = tpu.dynamic_gather %get3A_153[%gather3A] in [0] : vector<16xf32>, vector<16xi32> -> vector<16xf32>
        %add3A_171 = arith.addf %while3A_139, %gather3A_170 : vector<16xf32>
        %broadcast_in_dim3A_172 = vector.shape_cast %and3A_160 : vector<16xi32> to vector<16x1xi32>
        %gather3A_173 = vector.shape_cast %broadcast_in_dim3A_172 : vector<16x1xi32> to vector<16xi32>
        %gather3A_174 = tpu.dynamic_gather %get3A_153[%gather3A_173] in [0] : vector<16xf32>, vector<16xi32> -> vector<16xf32>
        %add3A_175 = arith.addf %while3A_140, %gather3A_174 : vector<16xf32>
        %broadcast_in_dim3A_176 = vector.shape_cast %and3A_164 : vector<16xi32> to vector<16x1xi32>
        %gather3A_177 = vector.shape_cast %broadcast_in_dim3A_176 : vector<16x1xi32> to vector<16xi32>
        %gather3A_178 = tpu.dynamic_gather %get3A_153[%gather3A_177] in [0] : vector<16xf32>, vector<16xi32> -> vector<16xf32>
        %add3A_179 = arith.addf %while3A_141, %gather3A_178 : vector<16xf32>
        %broadcast_in_dim3A_180 = vector.shape_cast %and3A_168 : vector<16xi32> to vector<16x1xi32>
        %gather3A_181 = vector.shape_cast %broadcast_in_dim3A_180 : vector<16x1xi32> to vector<16xi32>
        %gather3A_182 = tpu.dynamic_gather %get3A_153[%gather3A_181] in [0] : vector<16xf32>, vector<16xi32> -> vector<16xf32>
        %add3A_183 = arith.addf %while3A_142, %gather3A_182 : vector<16xf32>
        scf.yield %add3A_171, %add3A_175, %add3A_179, %add3A_183 : vector<16xf32>, vector<16xf32>, vector<16xf32>, vector<16xf32>
      }
      %while3A_115 = arith.constant 1 : i32
      %while3A_116:4 = scf.for %while3A_138 = %while3A_112 to %while3A_108 step %while3A_115 iter_args(%while3A_139 = %while3A_114#0, %while3A_140 = %while3A_114#1, %while3A_141 = %while3A_114#2, %while3A_142 = %while3A_114#3) -> (vector<16xf32>, vector<16xf32>, vector<16xf32>, vector<16xf32>)  : i32 {
        %add3A_143 = arith.constant 1600 : i32
        %add3A_144 = arith.addi %add3A_143, %while3A_138 : i32
        %get3A = arith.index_cast %add3A_144 : i32 to index
        %get3A_145 = arith.constant 0 : index
        %get3A_146 = tpu.vector_load %arg7[%get3A, %get3A_145] {strides = array<i32>} : memref<3200x16xi32, #tpu.memory_space<vmem>>, vector<1x16xi32>,
        %get3A_147 = vector.shape_cast %get3A_146 : vector<1x16xi32> to vector<16xi32>
        %add3A_148 = arith.constant 1600 : i32
        %add3A_149 = arith.addi %add3A_148, %while3A_138 : i32
        %get3A_150 = arith.index_cast %add3A_149 : i32 to index
        %get3A_151 = arith.constant 0 : index
        %get3A_152 = tpu.vector_load %arg8[%get3A_150, %get3A_151] {strides = array<i32>} : memref<3200x16xf32, #tpu.memory_space<vmem>>, vector<1x16xf32>,
        %get3A_153 = vector.shape_cast %get3A_152 : vector<1x16xf32> to vector<16xf32>
        %shift_right_logical3A_154 = arith.shrui %get3A_147, %mul3A_8 : vector<16xi32>
        %and3A = arith.constant 15 : i32
        %and3A_155 = vector.broadcast %and3A : i32 to vector<16xi32>
        %and3A_156 = arith.andi %shift_right_logical3A_154, %and3A_155 : vector<16xi32>
        %shift_right_logical3A_157 = arith.shrui %get3A_147, %mul3A_14 : vector<16xi32>
        %and3A_158 = arith.constant 15 : i32
        %and3A_159 = vector.broadcast %and3A_158 : i32 to vector<16xi32>
        %and3A_160 = arith.andi %shift_right_logical3A_157, %and3A_159 : vector<16xi32>
        %shift_right_logical3A_161 = arith.shrui %get3A_147, %mul3A_20 : vector<16xi32>
        %and3A_162 = arith.constant 15 : i32
        %and3A_163 = vector.broadcast %and3A_162 : i32 to vector<16xi32>
        %and3A_164 = arith.andi %shift_right_logical3A_161, %and3A_163 : vector<16xi32>
        %shift_right_logical3A_165 = arith.shrui %get3A_147, %mul3A_26 : vector<16xi32>
        %and3A_166 = arith.constant 15 : i32
        %and3A_167 = vector.broadcast %and3A_166 : i32 to vector<16xi32>
        %and3A_168 = arith.andi %shift_right_logical3A_165, %and3A_167 : vector<16xi32>
        %broadcast_in_dim3A_169 = vector.shape_cast %and3A_156 : vector<16xi32> to vector<16x1xi32>
        %gather3A = vector.shape_cast %broadcast_in_dim3A_169 : vector<16x1xi32> to vector<16xi32>
        %gather3A_170 = tpu.dynamic_gather %get3A_153[%gather3A] in [0] : vector<16xf32>, vector<16xi32> -> vector<16xf32>
        %add3A_171 = arith.addf %while3A_139, %gather3A_170 : vector<16xf32>
        %broadcast_in_dim3A_172 = vector.shape_cast %and3A_160 : vector<16xi32> to vector<16x1xi32>
        %gather3A_173 = vector.shape_cast %broadcast_in_dim3A_172 : vector<16x1xi32> to vector<16xi32>
        %gather3A_174 = tpu.dynamic_gather %get3A_153[%gather3A_173] in [0] : vector<16xf32>, vector<16xi32> -> vector<16xf32>
        %add3A_175 = arith.addf %while3A_140, %gather3A_174 : vector<16xf32>
        %broadcast_in_dim3A_176 = vector.shape_cast %and3A_164 : vector<16xi32> to vector<16x1xi32>
        %gather3A_177 = vector.shape_cast %broadcast_in_dim3A_176 : vector<16x1xi32> to vector<16xi32>
        %gather3A_178 = tpu.dynamic_gather %get3A_153[%gather3A_177] in [0] : vector<16xf32>, vector<16xi32> -> vector<16xf32>
        %add3A_179 = arith.addf %while3A_141, %gather3A_178 : vector<16xf32>
        %broadcast_in_dim3A_180 = vector.shape_cast %and3A_168 : vector<16xi32> to vector<16x1xi32>
        %gather3A_181 = vector.shape_cast %broadcast_in_dim3A_180 : vector<16x1xi32> to vector<16xi32>
        %gather3A_182 = tpu.dynamic_gather %get3A_153[%gather3A_181] in [0] : vector<16xf32>, vector<16xi32> -> vector<16xf32>
        %add3A_183 = arith.addf %while3A_142, %gather3A_182 : vector<16xf32>
        scf.yield %add3A_171, %add3A_175, %add3A_179, %add3A_183 : vector<16xf32>, vector<16xf32>, vector<16xf32>, vector<16xf32>
      }
      %add3A_117 = arith.constant 32 : i32
      %add3A_118 = arith.addi %add3A_117, %scan3A_101 : i32
      %swap3A = arith.index_cast %add3A_118 : i32 to index
      %swap3A_119 = arith.constant 0 : index
      %swap3A_120 = tpu.vector_load %arg9[%swap3A, %swap3A_119] {strides = array<i32>} : memref<128x64xf32, #tpu.memory_space<vmem>>, vector<1x16xf32>,
      %swap3A_121 = vector.shape_cast %swap3A_120 : vector<1x16xf32> to vector<16xf32>
      %swap3A_122 = vector.shape_cast %while3A_116#0 : vector<16xf32> to vector<1x16xf32>
      tpu.vector_store %arg9[%swap3A, %swap3A_119], %swap3A_122 {strides = array<i32>} : memref<128x64xf32, #tpu.memory_space<vmem>>, vector<1x16xf32>,
      %swap3A_123 = arith.index_cast %add3A_118 : i32 to index
      %swap3A_124 = arith.constant 16 : index
      %swap3A_125 = tpu.vector_load %arg9[%swap3A_123, %swap3A_124] {strides = array<i32>} : memref<128x64xf32, #tpu.memory_space<vmem>>, vector<1x16xf32>,
      %swap3A_126 = vector.shape_cast %swap3A_125 : vector<1x16xf32> to vector<16xf32>
      %swap3A_127 = vector.shape_cast %while3A_116#1 : vector<16xf32> to vector<1x16xf32>
      tpu.vector_store %arg9[%swap3A_123, %swap3A_124], %swap3A_127 {strides = array<i32>} : memref<128x64xf32, #tpu.memory_space<vmem>>, vector<1x16xf32>,
      %swap3A_128 = arith.index_cast %add3A_118 : i32 to index
      %swap3A_129 = arith.constant 32 : index
      %swap3A_130 = tpu.vector_load %arg9[%swap3A_128, %swap3A_129] {strides = array<i32>} : memref<128x64xf32, #tpu.memory_space<vmem>>, vector<1x16xf32>,
      %swap3A_131 = vector.shape_cast %swap3A_130 : vector<1x16xf32> to vector<16xf32>
      %swap3A_132 = vector.shape_cast %while3A_116#2 : vector<16xf32> to vector<1x16xf32>
      tpu.vector_store %arg9[%swap3A_128, %swap3A_129], %swap3A_132 {strides = array<i32>} : memref<128x64xf32, #tpu.memory_space<vmem>>, vector<1x16xf32>,
      %swap3A_133 = arith.index_cast %add3A_118 : i32 to index
      %swap3A_134 = arith.constant 48 : index
      %swap3A_135 = tpu.vector_load %arg9[%swap3A_133, %swap3A_134] {strides = array<i32>} : memref<128x64xf32, #tpu.memory_space<vmem>>, vector<1x16xf32>,
      %swap3A_136 = vector.shape_cast %swap3A_135 : vector<1x16xf32> to vector<16xf32>
      %swap3A_137 = vector.shape_cast %while3A_116#3 : vector<16xf32> to vector<1x16xf32>
      tpu.vector_store %arg9[%swap3A_133, %swap3A_134], %swap3A_137 {strides = array<i32>} : memref<128x64xf32, #tpu.memory_space<vmem>>, vector<1x16xf32>,
    }
    %scan3A_68 = arith.constant 32 : i32
    %scan3A_69 = arith.constant 0 : i32
    %scan3A_70 = arith.constant 0 : i32
    %scan3A_71 = arith.constant 25 : i32
    %scan3A_72 = arith.addi %scan3A_70, %scan3A_71 : i32
    %scan3A_73 = arith.constant 1 : i32
    scf.for %scan3A_101 = %scan3A_70 to %scan3A_72 step %scan3A_73  : i32 {
      %add3A_102 = arith.constant 75 : i32
      %add3A_103 = arith.addi %add3A_102, %scan3A_101 : i32
      %mul3A_104 = arith.constant 64 : i32
      %mul3A_105 = arith.muli %scan3A_101, %mul3A_104 : i32
      %add3A_106 = arith.constant 1600 : i32
      %add3A_107 = arith.addi %add3A_106, %mul3A_105 : i32
      %dma_start3A = arith.constant 0 : i32
      %dma_start3A_108 = tpu.memref_slice %arg7[%add3A_107, %dma_start3A] : memref<3200x16xi32, #tpu.memory_space<vmem>> -> memref<64x16xi32, #tpu.memory_space<vmem>>
      %dma_start3A_109 = arith.constant 0 : i32
      %dma_start3A_110 = tpu.memref_slice %arg6[%add3A_103, %dma_start3A_109] : memref<100x64xi32, #tpu.memory_space<vmem>> -> memref<1x64xi32, #tpu.memory_space<vmem>>
      %dma_start3A_111 = tpu.memref_squeeze %dma_start3A_110 : memref<1x64xi32, #tpu.memory_space<vmem>> -> memref<64xi32, #tpu.memory_space<vmem>>
      %dma_start3A_112 = arith.constant 0 : i32
      %dma_start3A_113 = arith.constant 0 : i32
      %dma_start3A_114 = tpu.memref_slice %arg2[%dma_start3A_112, %dma_start3A_113] : memref<100000x16xi32, #tpu.memory_space<hbm>> -> memref<100000x16xi32, #tpu.memory_space<hbm>>
      tpu.enqueue_indirect_dma source(%dma_start3A_114 : memref<100000x16xi32, #tpu.memory_space<hbm>>) target(%dma_start3A_108 : memref<64x16xi32, #tpu.memory_space<vmem>>) offsets(%dma_start3A_111 : memref<64xi32, #tpu.memory_space<vmem>>) semaphore(%arg11 : memref<!tpu.dma_semaphore, #tpu.memory_space<semaphore_mem>>)
      %dma_start3A_115 = arith.constant 0 : i32
      %dma_start3A_116 = tpu.memref_slice %arg8[%add3A_107, %dma_start3A_115] : memref<3200x16xf32, #tpu.memory_space<vmem>> -> memref<64x16xf32, #tpu.memory_space<vmem>>
      %dma_start3A_117 = arith.constant 0 : i32
      %dma_start3A_118 = tpu.memref_slice %arg6[%add3A_103, %dma_start3A_117] : memref<100x64xi32, #tpu.memory_space<vmem>> -> memref<1x64xi32, #tpu.memory_space<vmem>>
      %dma_start3A_119 = tpu.memref_squeeze %dma_start3A_118 : memref<1x64xi32, #tpu.memory_space<vmem>> -> memref<64xi32, #tpu.memory_space<vmem>>
      %dma_start3A_120 = arith.constant 0 : i32
      %dma_start3A_121 = arith.constant 0 : i32
      %dma_start3A_122 = tpu.memref_slice %arg3[%dma_start3A_120, %dma_start3A_121] : memref<100000x16xf32, #tpu.memory_space<hbm>> -> memref<100000x16xf32, #tpu.memory_space<hbm>>
      tpu.enqueue_indirect_dma source(%dma_start3A_122 : memref<100000x16xf32, #tpu.memory_space<hbm>>) target(%dma_start3A_116 : memref<64x16xf32, #tpu.memory_space<vmem>>) offsets(%dma_start3A_119 : memref<64xi32, #tpu.memory_space<vmem>>) semaphore(%arg11 : memref<!tpu.dma_semaphore, #tpu.memory_space<semaphore_mem>>)
    }
    %scan3A_74 = arith.constant 25 : i32
    %scan3A_75 = arith.constant 0 : i32
    %scan3A_76 = arith.constant 0 : i32
    %scan3A_77 = arith.constant 25 : i32
    %scan3A_78 = arith.addi %scan3A_76, %scan3A_77 : i32
    %scan3A_79 = arith.constant 1 : i32
    scf.for %scan3A_101 = %scan3A_76 to %scan3A_78 step %scan3A_79  : i32 {
      %dma_wait3A = arith.constant 0 : i32
      %dma_wait3A_102 = arith.constant 0 : i32
      %dma_wait3A_103 = arith.constant 0 : i32
      %dma_wait3A_104 = tpu.memref_slice %arg7[%dma_wait3A_102, %dma_wait3A_103] : memref<3200x16xi32, #tpu.memory_space<vmem>> -> memref<64x16xi32, #tpu.memory_space<vmem>>
      %dma_wait3A_105 = arith.constant 0 : i32
      %dma_wait3A_106 = tpu.memref_slice %arg6[%dma_wait3A, %dma_wait3A_105] : memref<100x64xi32, #tpu.memory_space<vmem>> -> memref<1x64xi32, #tpu.memory_space<vmem>>
      %dma_wait3A_107 = tpu.memref_squeeze %dma_wait3A_106 : memref<1x64xi32, #tpu.memory_space<vmem>> -> memref<64xi32, #tpu.memory_space<vmem>>
      %dma_wait3A_108 = arith.constant 0 : i32
      %dma_wait3A_109 = arith.constant 0 : i32
      %dma_wait3A_110 = tpu.memref_slice %arg2[%dma_wait3A_108, %dma_wait3A_109] : memref<100000x16xi32, #tpu.memory_space<hbm>> -> memref<100000x16xi32, #tpu.memory_space<hbm>>
      tpu.wait_indirect_dma semaphore(%arg10 : memref<!tpu.dma_semaphore, #tpu.memory_space<semaphore_mem>>) src(%dma_wait3A_110 : memref<100000x16xi32, #tpu.memory_space<hbm>>) dst(%dma_wait3A_104 : memref<64x16xi32, #tpu.memory_space<vmem>>)
      %dma_wait3A_111 = arith.constant 0 : i32
      %dma_wait3A_112 = arith.constant 0 : i32
      %dma_wait3A_113 = arith.constant 0 : i32
      %dma_wait3A_114 = tpu.memref_slice %arg7[%dma_wait3A_112, %dma_wait3A_113] : memref<3200x16xi32, #tpu.memory_space<vmem>> -> memref<64x16xi32, #tpu.memory_space<vmem>>
      %dma_wait3A_115 = arith.constant 0 : i32
      %dma_wait3A_116 = tpu.memref_slice %arg6[%dma_wait3A_111, %dma_wait3A_115] : memref<100x64xi32, #tpu.memory_space<vmem>> -> memref<1x64xi32, #tpu.memory_space<vmem>>
      %dma_wait3A_117 = tpu.memref_squeeze %dma_wait3A_116 : memref<1x64xi32, #tpu.memory_space<vmem>> -> memref<64xi32, #tpu.memory_space<vmem>>
      %dma_wait3A_118 = arith.constant 0 : i32
      %dma_wait3A_119 = arith.constant 0 : i32
      %dma_wait3A_120 = tpu.memref_slice %arg2[%dma_wait3A_118, %dma_wait3A_119] : memref<100000x16xi32, #tpu.memory_space<hbm>> -> memref<100000x16xi32, #tpu.memory_space<hbm>>
      tpu.wait_indirect_dma semaphore(%arg10 : memref<!tpu.dma_semaphore, #tpu.memory_space<semaphore_mem>>) src(%dma_wait3A_120 : memref<100000x16xi32, #tpu.memory_space<hbm>>) dst(%dma_wait3A_114 : memref<64x16xi32, #tpu.memory_space<vmem>>)
    }
    %scan3A_80 = arith.constant 25 : i32
    %scan3A_81 = arith.constant 0 : i32
    %scan3A_82 = arith.constant 0 : i32
    %scan3A_83 = arith.constant 32 : i32
    %scan3A_84 = arith.addi %scan3A_82, %scan3A_83 : i32
    %scan3A_85 = arith.constant 1 : i32
    scf.for %scan3A_101 = %scan3A_82 to %scan3A_84 step %scan3A_85  : i32 {
      %mul3A_102 = arith.constant 50 : i32
      %mul3A_103 = arith.muli %scan3A_101, %mul3A_102 : i32
      %add3A_104 = arith.constant 1 : i32
      %add3A_105 = arith.addi %scan3A_101, %add3A_104 : i32
      %mul3A_106 = arith.constant 50 : i32
      %mul3A_107 = arith.muli %add3A_105, %mul3A_106 : i32
      %while3A = arith.subi %mul3A_107, %mul3A_103 : i32
      %while3A_108 = arith.addi %mul3A_103, %while3A : i32
      %while3A_109 = arith.constant 1 : i32
      %while3A_110 = arith.divsi %while3A, %while3A_109 : i32
      %while3A_111 = arith.muli %while3A_110, %while3A_109 : i32
      %while3A_112 = arith.addi %mul3A_103, %while3A_111 : i32
      %while3A_113 = arith.constant 1 : i32
      %while3A_114:4 = scf.for %while3A_138 = %mul3A_103 to %while3A_112 step %while3A_113 iter_args(%while3A_139 = %broadcast_in_dim3A_27, %while3A_140 = %broadcast_in_dim3A_27, %while3A_141 = %broadcast_in_dim3A_27, %while3A_142 = %broadcast_in_dim3A_27) -> (vector<16xf32>, vector<16xf32>, vector<16xf32>, vector<16xf32>)  : i32 {
        %add3A_143 = arith.constant 0 : i32
        %add3A_144 = arith.addi %add3A_143, %while3A_138 : i32
        %get3A = arith.index_cast %add3A_144 : i32 to index
        %get3A_145 = arith.constant 0 : index
        %get3A_146 = tpu.vector_load %arg7[%get3A, %get3A_145] {strides = array<i32>} : memref<3200x16xi32, #tpu.memory_space<vmem>>, vector<1x16xi32>,
        %get3A_147 = vector.shape_cast %get3A_146 : vector<1x16xi32> to vector<16xi32>
        %add3A_148 = arith.constant 0 : i32
        %add3A_149 = arith.addi %add3A_148, %while3A_138 : i32
        %get3A_150 = arith.index_cast %add3A_149 : i32 to index
        %get3A_151 = arith.constant 0 : index
        %get3A_152 = tpu.vector_load %arg8[%get3A_150, %get3A_151] {strides = array<i32>} : memref<3200x16xf32, #tpu.memory_space<vmem>>, vector<1x16xf32>,
        %get3A_153 = vector.shape_cast %get3A_152 : vector<1x16xf32> to vector<16xf32>
        %shift_right_logical3A_154 = arith.shrui %get3A_147, %mul3A_8 : vector<16xi32>
        %and3A = arith.constant 15 : i32
        %and3A_155 = vector.broadcast %and3A : i32 to vector<16xi32>
        %and3A_156 = arith.andi %shift_right_logical3A_154, %and3A_155 : vector<16xi32>
        %shift_right_logical3A_157 = arith.shrui %get3A_147, %mul3A_14 : vector<16xi32>
        %and3A_158 = arith.constant 15 : i32
        %and3A_159 = vector.broadcast %and3A_158 : i32 to vector<16xi32>
        %and3A_160 = arith.andi %shift_right_logical3A_157, %and3A_159 : vector<16xi32>
        %shift_right_logical3A_161 = arith.shrui %get3A_147, %mul3A_20 : vector<16xi32>
        %and3A_162 = arith.constant 15 : i32
        %and3A_163 = vector.broadcast %and3A_162 : i32 to vector<16xi32>
        %and3A_164 = arith.andi %shift_right_logical3A_161, %and3A_163 : vector<16xi32>
        %shift_right_logical3A_165 = arith.shrui %get3A_147, %mul3A_26 : vector<16xi32>
        %and3A_166 = arith.constant 15 : i32
        %and3A_167 = vector.broadcast %and3A_166 : i32 to vector<16xi32>
        %and3A_168 = arith.andi %shift_right_logical3A_165, %and3A_167 : vector<16xi32>
        %broadcast_in_dim3A_169 = vector.shape_cast %and3A_156 : vector<16xi32> to vector<16x1xi32>
        %gather3A = vector.shape_cast %broadcast_in_dim3A_169 : vector<16x1xi32> to vector<16xi32>
        %gather3A_170 = tpu.dynamic_gather %get3A_153[%gather3A] in [0] : vector<16xf32>, vector<16xi32> -> vector<16xf32>
        %add3A_171 = arith.addf %while3A_139, %gather3A_170 : vector<16xf32>
        %broadcast_in_dim3A_172 = vector.shape_cast %and3A_160 : vector<16xi32> to vector<16x1xi32>
        %gather3A_173 = vector.shape_cast %broadcast_in_dim3A_172 : vector<16x1xi32> to vector<16xi32>
        %gather3A_174 = tpu.dynamic_gather %get3A_153[%gather3A_173] in [0] : vector<16xf32>, vector<16xi32> -> vector<16xf32>
        %add3A_175 = arith.addf %while3A_140, %gather3A_174 : vector<16xf32>
        %broadcast_in_dim3A_176 = vector.shape_cast %and3A_164 : vector<16xi32> to vector<16x1xi32>
        %gather3A_177 = vector.shape_cast %broadcast_in_dim3A_176 : vector<16x1xi32> to vector<16xi32>
        %gather3A_178 = tpu.dynamic_gather %get3A_153[%gather3A_177] in [0] : vector<16xf32>, vector<16xi32> -> vector<16xf32>
        %add3A_179 = arith.addf %while3A_141, %gather3A_178 : vector<16xf32>
        %broadcast_in_dim3A_180 = vector.shape_cast %and3A_168 : vector<16xi32> to vector<16x1xi32>
        %gather3A_181 = vector.shape_cast %broadcast_in_dim3A_180 : vector<16x1xi32> to vector<16xi32>
        %gather3A_182 = tpu.dynamic_gather %get3A_153[%gather3A_181] in [0] : vector<16xf32>, vector<16xi32> -> vector<16xf32>
        %add3A_183 = arith.addf %while3A_142, %gather3A_182 : vector<16xf32>
        scf.yield %add3A_171, %add3A_175, %add3A_179, %add3A_183 : vector<16xf32>, vector<16xf32>, vector<16xf32>, vector<16xf32>
      }
      %while3A_115 = arith.constant 1 : i32
      %while3A_116:4 = scf.for %while3A_138 = %while3A_112 to %while3A_108 step %while3A_115 iter_args(%while3A_139 = %while3A_114#0, %while3A_140 = %while3A_114#1, %while3A_141 = %while3A_114#2, %while3A_142 = %while3A_114#3) -> (vector<16xf32>, vector<16xf32>, vector<16xf32>, vector<16xf32>)  : i32 {
        %add3A_143 = arith.constant 0 : i32
        %add3A_144 = arith.addi %add3A_143, %while3A_138 : i32
        %get3A = arith.index_cast %add3A_144 : i32 to index
        %get3A_145 = arith.constant 0 : index
        %get3A_146 = tpu.vector_load %arg7[%get3A, %get3A_145] {strides = array<i32>} : memref<3200x16xi32, #tpu.memory_space<vmem>>, vector<1x16xi32>,
        %get3A_147 = vector.shape_cast %get3A_146 : vector<1x16xi32> to vector<16xi32>
        %add3A_148 = arith.constant 0 : i32
        %add3A_149 = arith.addi %add3A_148, %while3A_138 : i32
        %get3A_150 = arith.index_cast %add3A_149 : i32 to index
        %get3A_151 = arith.constant 0 : index
        %get3A_152 = tpu.vector_load %arg8[%get3A_150, %get3A_151] {strides = array<i32>} : memref<3200x16xf32, #tpu.memory_space<vmem>>, vector<1x16xf32>,
        %get3A_153 = vector.shape_cast %get3A_152 : vector<1x16xf32> to vector<16xf32>
        %shift_right_logical3A_154 = arith.shrui %get3A_147, %mul3A_8 : vector<16xi32>
        %and3A = arith.constant 15 : i32
        %and3A_155 = vector.broadcast %and3A : i32 to vector<16xi32>
        %and3A_156 = arith.andi %shift_right_logical3A_154, %and3A_155 : vector<16xi32>
        %shift_right_logical3A_157 = arith.shrui %get3A_147, %mul3A_14 : vector<16xi32>
        %and3A_158 = arith.constant 15 : i32
        %and3A_159 = vector.broadcast %and3A_158 : i32 to vector<16xi32>
        %and3A_160 = arith.andi %shift_right_logical3A_157, %and3A_159 : vector<16xi32>
        %shift_right_logical3A_161 = arith.shrui %get3A_147, %mul3A_20 : vector<16xi32>
        %and3A_162 = arith.constant 15 : i32
        %and3A_163 = vector.broadcast %and3A_162 : i32 to vector<16xi32>
        %and3A_164 = arith.andi %shift_right_logical3A_161, %and3A_163 : vector<16xi32>
        %shift_right_logical3A_165 = arith.shrui %get3A_147, %mul3A_26 : vector<16xi32>
        %and3A_166 = arith.constant 15 : i32
        %and3A_167 = vector.broadcast %and3A_166 : i32 to vector<16xi32>
        %and3A_168 = arith.andi %shift_right_logical3A_165, %and3A_167 : vector<16xi32>
        %broadcast_in_dim3A_169 = vector.shape_cast %and3A_156 : vector<16xi32> to vector<16x1xi32>
        %gather3A = vector.shape_cast %broadcast_in_dim3A_169 : vector<16x1xi32> to vector<16xi32>
        %gather3A_170 = tpu.dynamic_gather %get3A_153[%gather3A] in [0] : vector<16xf32>, vector<16xi32> -> vector<16xf32>
        %add3A_171 = arith.addf %while3A_139, %gather3A_170 : vector<16xf32>
        %broadcast_in_dim3A_172 = vector.shape_cast %and3A_160 : vector<16xi32> to vector<16x1xi32>
        %gather3A_173 = vector.shape_cast %broadcast_in_dim3A_172 : vector<16x1xi32> to vector<16xi32>
        %gather3A_174 = tpu.dynamic_gather %get3A_153[%gather3A_173] in [0] : vector<16xf32>, vector<16xi32> -> vector<16xf32>
        %add3A_175 = arith.addf %while3A_140, %gather3A_174 : vector<16xf32>
        %broadcast_in_dim3A_176 = vector.shape_cast %and3A_164 : vector<16xi32> to vector<16x1xi32>
        %gather3A_177 = vector.shape_cast %broadcast_in_dim3A_176 : vector<16x1xi32> to vector<16xi32>
        %gather3A_178 = tpu.dynamic_gather %get3A_153[%gather3A_177] in [0] : vector<16xf32>, vector<16xi32> -> vector<16xf32>
        %add3A_179 = arith.addf %while3A_141, %gather3A_178 : vector<16xf32>
        %broadcast_in_dim3A_180 = vector.shape_cast %and3A_168 : vector<16xi32> to vector<16x1xi32>
        %gather3A_181 = vector.shape_cast %broadcast_in_dim3A_180 : vector<16x1xi32> to vector<16xi32>
        %gather3A_182 = tpu.dynamic_gather %get3A_153[%gather3A_181] in [0] : vector<16xf32>, vector<16xi32> -> vector<16xf32>
        %add3A_183 = arith.addf %while3A_142, %gather3A_182 : vector<16xf32>
        scf.yield %add3A_171, %add3A_175, %add3A_179, %add3A_183 : vector<16xf32>, vector<16xf32>, vector<16xf32>, vector<16xf32>
      }
      %add3A_117 = arith.constant 64 : i32
      %add3A_118 = arith.addi %add3A_117, %scan3A_101 : i32
      %swap3A = arith.index_cast %add3A_118 : i32 to index
      %swap3A_119 = arith.constant 0 : index
      %swap3A_120 = tpu.vector_load %arg9[%swap3A, %swap3A_119] {strides = array<i32>} : memref<128x64xf32, #tpu.memory_space<vmem>>, vector<1x16xf32>,
      %swap3A_121 = vector.shape_cast %swap3A_120 : vector<1x16xf32> to vector<16xf32>
      %swap3A_122 = vector.shape_cast %while3A_116#0 : vector<16xf32> to vector<1x16xf32>
      tpu.vector_store %arg9[%swap3A, %swap3A_119], %swap3A_122 {strides = array<i32>} : memref<128x64xf32, #tpu.memory_space<vmem>>, vector<1x16xf32>,
      %swap3A_123 = arith.index_cast %add3A_118 : i32 to index
      %swap3A_124 = arith.constant 16 : index
      %swap3A_125 = tpu.vector_load %arg9[%swap3A_123, %swap3A_124] {strides = array<i32>} : memref<128x64xf32, #tpu.memory_space<vmem>>, vector<1x16xf32>,
      %swap3A_126 = vector.shape_cast %swap3A_125 : vector<1x16xf32> to vector<16xf32>
      %swap3A_127 = vector.shape_cast %while3A_116#1 : vector<16xf32> to vector<1x16xf32>
      tpu.vector_store %arg9[%swap3A_123, %swap3A_124], %swap3A_127 {strides = array<i32>} : memref<128x64xf32, #tpu.memory_space<vmem>>, vector<1x16xf32>,
      %swap3A_128 = arith.index_cast %add3A_118 : i32 to index
      %swap3A_129 = arith.constant 32 : index
      %swap3A_130 = tpu.vector_load %arg9[%swap3A_128, %swap3A_129] {strides = array<i32>} : memref<128x64xf32, #tpu.memory_space<vmem>>, vector<1x16xf32>,
      %swap3A_131 = vector.shape_cast %swap3A_130 : vector<1x16xf32> to vector<16xf32>
      %swap3A_132 = vector.shape_cast %while3A_116#2 : vector<16xf32> to vector<1x16xf32>
      tpu.vector_store %arg9[%swap3A_128, %swap3A_129], %swap3A_132 {strides = array<i32>} : memref<128x64xf32, #tpu.memory_space<vmem>>, vector<1x16xf32>,
      %swap3A_133 = arith.index_cast %add3A_118 : i32 to index
      %swap3A_134 = arith.constant 48 : index
      %swap3A_135 = tpu.vector_load %arg9[%swap3A_133, %swap3A_134] {strides = array<i32>} : memref<128x64xf32, #tpu.memory_space<vmem>>, vector<1x16xf32>,
      %swap3A_136 = vector.shape_cast %swap3A_135 : vector<1x16xf32> to vector<16xf32>
      %swap3A_137 = vector.shape_cast %while3A_116#3 : vector<16xf32> to vector<1x16xf32>
      tpu.vector_store %arg9[%swap3A_133, %swap3A_134], %swap3A_137 {strides = array<i32>} : memref<128x64xf32, #tpu.memory_space<vmem>>, vector<1x16xf32>,
    }
    %scan3A_86 = arith.constant 32 : i32
    %scan3A_87 = arith.constant 0 : i32
    %scan3A_88 = arith.constant 0 : i32
    %scan3A_89 = arith.constant 25 : i32
    %scan3A_90 = arith.addi %scan3A_88, %scan3A_89 : i32
    %scan3A_91 = arith.constant 1 : i32
    scf.for %scan3A_101 = %scan3A_88 to %scan3A_90 step %scan3A_91  : i32 {
      %dma_wait3A = arith.constant 0 : i32
      %dma_wait3A_102 = arith.constant 0 : i32
      %dma_wait3A_103 = arith.constant 0 : i32
      %dma_wait3A_104 = tpu.memref_slice %arg7[%dma_wait3A_102, %dma_wait3A_103] : memref<3200x16xi32, #tpu.memory_space<vmem>> -> memref<64x16xi32, #tpu.memory_space<vmem>>
      %dma_wait3A_105 = arith.constant 0 : i32
      %dma_wait3A_106 = tpu.memref_slice %arg6[%dma_wait3A, %dma_wait3A_105] : memref<100x64xi32, #tpu.memory_space<vmem>> -> memref<1x64xi32, #tpu.memory_space<vmem>>
      %dma_wait3A_107 = tpu.memref_squeeze %dma_wait3A_106 : memref<1x64xi32, #tpu.memory_space<vmem>> -> memref<64xi32, #tpu.memory_space<vmem>>
      %dma_wait3A_108 = arith.constant 0 : i32
      %dma_wait3A_109 = arith.constant 0 : i32
      %dma_wait3A_110 = tpu.memref_slice %arg2[%dma_wait3A_108, %dma_wait3A_109] : memref<100000x16xi32, #tpu.memory_space<hbm>> -> memref<100000x16xi32, #tpu.memory_space<hbm>>
      tpu.wait_indirect_dma semaphore(%arg11 : memref<!tpu.dma_semaphore, #tpu.memory_space<semaphore_mem>>) src(%dma_wait3A_110 : memref<100000x16xi32, #tpu.memory_space<hbm>>) dst(%dma_wait3A_104 : memref<64x16xi32, #tpu.memory_space<vmem>>)
      %dma_wait3A_111 = arith.constant 0 : i32
      %dma_wait3A_112 = arith.constant 0 : i32
      %dma_wait3A_113 = arith.constant 0 : i32
      %dma_wait3A_114 = tpu.memref_slice %arg7[%dma_wait3A_112, %dma_wait3A_113] : memref<3200x16xi32, #tpu.memory_space<vmem>> -> memref<64x16xi32, #tpu.memory_space<vmem>>
      %dma_wait3A_115 = arith.constant 0 : i32
      %dma_wait3A_116 = tpu.memref_slice %arg6[%dma_wait3A_111, %dma_wait3A_115] : memref<100x64xi32, #tpu.memory_space<vmem>> -> memref<1x64xi32, #tpu.memory_space<vmem>>
      %dma_wait3A_117 = tpu.memref_squeeze %dma_wait3A_116 : memref<1x64xi32, #tpu.memory_space<vmem>> -> memref<64xi32, #tpu.memory_space<vmem>>
      %dma_wait3A_118 = arith.constant 0 : i32
      %dma_wait3A_119 = arith.constant 0 : i32
      %dma_wait3A_120 = tpu.memref_slice %arg2[%dma_wait3A_118, %dma_wait3A_119] : memref<100000x16xi32, #tpu.memory_space<hbm>> -> memref<100000x16xi32, #tpu.memory_space<hbm>>
      tpu.wait_indirect_dma semaphore(%arg11 : memref<!tpu.dma_semaphore, #tpu.memory_space<semaphore_mem>>) src(%dma_wait3A_120 : memref<100000x16xi32, #tpu.memory_space<hbm>>) dst(%dma_wait3A_114 : memref<64x16xi32, #tpu.memory_space<vmem>>)
    }
    %scan3A_92 = arith.constant 25 : i32
    %scan3A_93 = arith.constant 0 : i32
    %scan3A_94 = arith.constant 0 : i32
    %scan3A_95 = arith.constant 32 : i32
    %scan3A_96 = arith.addi %scan3A_94, %scan3A_95 : i32
    %scan3A_97 = arith.constant 1 : i32
    scf.for %scan3A_101 = %scan3A_94 to %scan3A_96 step %scan3A_97  : i32 {
      %mul3A_102 = arith.constant 50 : i32
      %mul3A_103 = arith.muli %scan3A_101, %mul3A_102 : i32
      %add3A_104 = arith.constant 1 : i32
      %add3A_105 = arith.addi %scan3A_101, %add3A_104 : i32
      %mul3A_106 = arith.constant 50 : i32
      %mul3A_107 = arith.muli %add3A_105, %mul3A_106 : i32
      %while3A = arith.subi %mul3A_107, %mul3A_103 : i32
      %while3A_108 = arith.addi %mul3A_103, %while3A : i32
      %while3A_109 = arith.constant 1 : i32
      %while3A_110 = arith.divsi %while3A, %while3A_109 : i32
      %while3A_111 = arith.muli %while3A_110, %while3A_109 : i32
      %while3A_112 = arith.addi %mul3A_103, %while3A_111 : i32
      %while3A_113 = arith.constant 1 : i32
      %while3A_114:4 = scf.for %while3A_138 = %mul3A_103 to %while3A_112 step %while3A_113 iter_args(%while3A_139 = %broadcast_in_dim3A_27, %while3A_140 = %broadcast_in_dim3A_27, %while3A_141 = %broadcast_in_dim3A_27, %while3A_142 = %broadcast_in_dim3A_27) -> (vector<16xf32>, vector<16xf32>, vector<16xf32>, vector<16xf32>)  : i32 {
        %add3A_143 = arith.constant 1600 : i32
        %add3A_144 = arith.addi %add3A_143, %while3A_138 : i32
        %get3A = arith.index_cast %add3A_144 : i32 to index
        %get3A_145 = arith.constant 0 : index
        %get3A_146 = tpu.vector_load %arg7[%get3A, %get3A_145] {strides = array<i32>} : memref<3200x16xi32, #tpu.memory_space<vmem>>, vector<1x16xi32>,
        %get3A_147 = vector.shape_cast %get3A_146 : vector<1x16xi32> to vector<16xi32>
        %add3A_148 = arith.constant 1600 : i32
        %add3A_149 = arith.addi %add3A_148, %while3A_138 : i32
        %get3A_150 = arith.index_cast %add3A_149 : i32 to index
        %get3A_151 = arith.constant 0 : index
        %get3A_152 = tpu.vector_load %arg8[%get3A_150, %get3A_151] {strides = array<i32>} : memref<3200x16xf32, #tpu.memory_space<vmem>>, vector<1x16xf32>,
        %get3A_153 = vector.shape_cast %get3A_152 : vector<1x16xf32> to vector<16xf32>
        %shift_right_logical3A_154 = arith.shrui %get3A_147, %mul3A_8 : vector<16xi32>
        %and3A = arith.constant 15 : i32
        %and3A_155 = vector.broadcast %and3A : i32 to vector<16xi32>
        %and3A_156 = arith.andi %shift_right_logical3A_154, %and3A_155 : vector<16xi32>
        %shift_right_logical3A_157 = arith.shrui %get3A_147, %mul3A_14 : vector<16xi32>
        %and3A_158 = arith.constant 15 : i32
        %and3A_159 = vector.broadcast %and3A_158 : i32 to vector<16xi32>
        %and3A_160 = arith.andi %shift_right_logical3A_157, %and3A_159 : vector<16xi32>
        %shift_right_logical3A_161 = arith.shrui %get3A_147, %mul3A_20 : vector<16xi32>
        %and3A_162 = arith.constant 15 : i32
        %and3A_163 = vector.broadcast %and3A_162 : i32 to vector<16xi32>
        %and3A_164 = arith.andi %shift_right_logical3A_161, %and3A_163 : vector<16xi32>
        %shift_right_logical3A_165 = arith.shrui %get3A_147, %mul3A_26 : vector<16xi32>
        %and3A_166 = arith.constant 15 : i32
        %and3A_167 = vector.broadcast %and3A_166 : i32 to vector<16xi32>
        %and3A_168 = arith.andi %shift_right_logical3A_165, %and3A_167 : vector<16xi32>
        %broadcast_in_dim3A_169 = vector.shape_cast %and3A_156 : vector<16xi32> to vector<16x1xi32>
        %gather3A = vector.shape_cast %broadcast_in_dim3A_169 : vector<16x1xi32> to vector<16xi32>
        %gather3A_170 = tpu.dynamic_gather %get3A_153[%gather3A] in [0] : vector<16xf32>, vector<16xi32> -> vector<16xf32>
        %add3A_171 = arith.addf %while3A_139, %gather3A_170 : vector<16xf32>
        %broadcast_in_dim3A_172 = vector.shape_cast %and3A_160 : vector<16xi32> to vector<16x1xi32>
        %gather3A_173 = vector.shape_cast %broadcast_in_dim3A_172 : vector<16x1xi32> to vector<16xi32>
        %gather3A_174 = tpu.dynamic_gather %get3A_153[%gather3A_173] in [0] : vector<16xf32>, vector<16xi32> -> vector<16xf32>
        %add3A_175 = arith.addf %while3A_140, %gather3A_174 : vector<16xf32>
        %broadcast_in_dim3A_176 = vector.shape_cast %and3A_164 : vector<16xi32> to vector<16x1xi32>
        %gather3A_177 = vector.shape_cast %broadcast_in_dim3A_176 : vector<16x1xi32> to vector<16xi32>
        %gather3A_178 = tpu.dynamic_gather %get3A_153[%gather3A_177] in [0] : vector<16xf32>, vector<16xi32> -> vector<16xf32>
        %add3A_179 = arith.addf %while3A_141, %gather3A_178 : vector<16xf32>
        %broadcast_in_dim3A_180 = vector.shape_cast %and3A_168 : vector<16xi32> to vector<16x1xi32>
        %gather3A_181 = vector.shape_cast %broadcast_in_dim3A_180 : vector<16x1xi32> to vector<16xi32>
        %gather3A_182 = tpu.dynamic_gather %get3A_153[%gather3A_181] in [0] : vector<16xf32>, vector<16xi32> -> vector<16xf32>
        %add3A_183 = arith.addf %while3A_142, %gather3A_182 : vector<16xf32>
        scf.yield %add3A_171, %add3A_175, %add3A_179, %add3A_183 : vector<16xf32>, vector<16xf32>, vector<16xf32>, vector<16xf32>
      }
      %while3A_115 = arith.constant 1 : i32
      %while3A_116:4 = scf.for %while3A_138 = %while3A_112 to %while3A_108 step %while3A_115 iter_args(%while3A_139 = %while3A_114#0, %while3A_140 = %while3A_114#1, %while3A_141 = %while3A_114#2, %while3A_142 = %while3A_114#3) -> (vector<16xf32>, vector<16xf32>, vector<16xf32>, vector<16xf32>)  : i32 {
        %add3A_143 = arith.constant 1600 : i32
        %add3A_144 = arith.addi %add3A_143, %while3A_138 : i32
        %get3A = arith.index_cast %add3A_144 : i32 to index
        %get3A_145 = arith.constant 0 : index
        %get3A_146 = tpu.vector_load %arg7[%get3A, %get3A_145] {strides = array<i32>} : memref<3200x16xi32, #tpu.memory_space<vmem>>, vector<1x16xi32>,
        %get3A_147 = vector.shape_cast %get3A_146 : vector<1x16xi32> to vector<16xi32>
        %add3A_148 = arith.constant 1600 : i32
        %add3A_149 = arith.addi %add3A_148, %while3A_138 : i32
        %get3A_150 = arith.index_cast %add3A_149 : i32 to index
        %get3A_151 = arith.constant 0 : index
        %get3A_152 = tpu.vector_load %arg8[%get3A_150, %get3A_151] {strides = array<i32>} : memref<3200x16xf32, #tpu.memory_space<vmem>>, vector<1x16xf32>,
        %get3A_153 = vector.shape_cast %get3A_152 : vector<1x16xf32> to vector<16xf32>
        %shift_right_logical3A_154 = arith.shrui %get3A_147, %mul3A_8 : vector<16xi32>
        %and3A = arith.constant 15 : i32
        %and3A_155 = vector.broadcast %and3A : i32 to vector<16xi32>
        %and3A_156 = arith.andi %shift_right_logical3A_154, %and3A_155 : vector<16xi32>
        %shift_right_logical3A_157 = arith.shrui %get3A_147, %mul3A_14 : vector<16xi32>
        %and3A_158 = arith.constant 15 : i32
        %and3A_159 = vector.broadcast %and3A_158 : i32 to vector<16xi32>
        %and3A_160 = arith.andi %shift_right_logical3A_157, %and3A_159 : vector<16xi32>
        %shift_right_logical3A_161 = arith.shrui %get3A_147, %mul3A_20 : vector<16xi32>
        %and3A_162 = arith.constant 15 : i32
        %and3A_163 = vector.broadcast %and3A_162 : i32 to vector<16xi32>
        %and3A_164 = arith.andi %shift_right_logical3A_161, %and3A_163 : vector<16xi32>
        %shift_right_logical3A_165 = arith.shrui %get3A_147, %mul3A_26 : vector<16xi32>
        %and3A_166 = arith.constant 15 : i32
        %and3A_167 = vector.broadcast %and3A_166 : i32 to vector<16xi32>
        %and3A_168 = arith.andi %shift_right_logical3A_165, %and3A_167 : vector<16xi32>
        %broadcast_in_dim3A_169 = vector.shape_cast %and3A_156 : vector<16xi32> to vector<16x1xi32>
        %gather3A = vector.shape_cast %broadcast_in_dim3A_169 : vector<16x1xi32> to vector<16xi32>
        %gather3A_170 = tpu.dynamic_gather %get3A_153[%gather3A] in [0] : vector<16xf32>, vector<16xi32> -> vector<16xf32>
        %add3A_171 = arith.addf %while3A_139, %gather3A_170 : vector<16xf32>
        %broadcast_in_dim3A_172 = vector.shape_cast %and3A_160 : vector<16xi32> to vector<16x1xi32>
        %gather3A_173 = vector.shape_cast %broadcast_in_dim3A_172 : vector<16x1xi32> to vector<16xi32>
        %gather3A_174 = tpu.dynamic_gather %get3A_153[%gather3A_173] in [0] : vector<16xf32>, vector<16xi32> -> vector<16xf32>
        %add3A_175 = arith.addf %while3A_140, %gather3A_174 : vector<16xf32>
        %broadcast_in_dim3A_176 = vector.shape_cast %and3A_164 : vector<16xi32> to vector<16x1xi32>
        %gather3A_177 = vector.shape_cast %broadcast_in_dim3A_176 : vector<16x1xi32> to vector<16xi32>
        %gather3A_178 = tpu.dynamic_gather %get3A_153[%gather3A_177] in [0] : vector<16xf32>, vector<16xi32> -> vector<16xf32>
        %add3A_179 = arith.addf %while3A_141, %gather3A_178 : vector<16xf32>
        %broadcast_in_dim3A_180 = vector.shape_cast %and3A_168 : vector<16xi32> to vector<16x1xi32>
        %gather3A_181 = vector.shape_cast %broadcast_in_dim3A_180 : vector<16x1xi32> to vector<16xi32>
        %gather3A_182 = tpu.dynamic_gather %get3A_153[%gather3A_181] in [0] : vector<16xf32>, vector<16xi32> -> vector<16xf32>
        %add3A_183 = arith.addf %while3A_142, %gather3A_182 : vector<16xf32>
        scf.yield %add3A_171, %add3A_175, %add3A_179, %add3A_183 : vector<16xf32>, vector<16xf32>, vector<16xf32>, vector<16xf32>
      }
      %add3A_117 = arith.constant 96 : i32
      %add3A_118 = arith.addi %add3A_117, %scan3A_101 : i32
      %swap3A = arith.index_cast %add3A_118 : i32 to index
      %swap3A_119 = arith.constant 0 : index
      %swap3A_120 = tpu.vector_load %arg9[%swap3A, %swap3A_119] {strides = array<i32>} : memref<128x64xf32, #tpu.memory_space<vmem>>, vector<1x16xf32>,
      %swap3A_121 = vector.shape_cast %swap3A_120 : vector<1x16xf32> to vector<16xf32>
      %swap3A_122 = vector.shape_cast %while3A_116#0 : vector<16xf32> to vector<1x16xf32>
      tpu.vector_store %arg9[%swap3A, %swap3A_119], %swap3A_122 {strides = array<i32>} : memref<128x64xf32, #tpu.memory_space<vmem>>, vector<1x16xf32>,
      %swap3A_123 = arith.index_cast %add3A_118 : i32 to index
      %swap3A_124 = arith.constant 16 : index
      %swap3A_125 = tpu.vector_load %arg9[%swap3A_123, %swap3A_124] {strides = array<i32>} : memref<128x64xf32, #tpu.memory_space<vmem>>, vector<1x16xf32>,
      %swap3A_126 = vector.shape_cast %swap3A_125 : vector<1x16xf32> to vector<16xf32>
      %swap3A_127 = vector.shape_cast %while3A_116#1 : vector<16xf32> to vector<1x16xf32>
      tpu.vector_store %arg9[%swap3A_123, %swap3A_124], %swap3A_127 {strides = array<i32>} : memref<128x64xf32, #tpu.memory_space<vmem>>, vector<1x16xf32>,
      %swap3A_128 = arith.index_cast %add3A_118 : i32 to index
      %swap3A_129 = arith.constant 32 : index
      %swap3A_130 = tpu.vector_load %arg9[%swap3A_128, %swap3A_129] {strides = array<i32>} : memref<128x64xf32, #tpu.memory_space<vmem>>, vector<1x16xf32>,
      %swap3A_131 = vector.shape_cast %swap3A_130 : vector<1x16xf32> to vector<16xf32>
      %swap3A_132 = vector.shape_cast %while3A_116#2 : vector<16xf32> to vector<1x16xf32>
      tpu.vector_store %arg9[%swap3A_128, %swap3A_129], %swap3A_132 {strides = array<i32>} : memref<128x64xf32, #tpu.memory_space<vmem>>, vector<1x16xf32>,
      %swap3A_133 = arith.index_cast %add3A_118 : i32 to index
      %swap3A_134 = arith.constant 48 : index
      %swap3A_135 = tpu.vector_load %arg9[%swap3A_133, %swap3A_134] {strides = array<i32>} : memref<128x64xf32, #tpu.memory_space<vmem>>, vector<1x16xf32>,
      %swap3A_136 = vector.shape_cast %swap3A_135 : vector<1x16xf32> to vector<16xf32>
      %swap3A_137 = vector.shape_cast %while3A_116#3 : vector<16xf32> to vector<1x16xf32>
      tpu.vector_store %arg9[%swap3A_133, %swap3A_134], %swap3A_137 {strides = array<i32>} : memref<128x64xf32, #tpu.memory_space<vmem>>, vector<1x16xf32>,
    }
    %scan3A_98 = arith.constant 32 : i32
    %mul3A_99 = arith.constant 128 : i32
    %mul3A_100 = arith.muli %add3A, %mul3A_99 : i32
    "tpu.region"() ({
      %run_scoped3A = tpu.sem_alloc : memref<!tpu.dma_semaphore, #tpu.memory_space<semaphore_mem>>
      %dma_start3A = arith.constant 0 : i32
      %dma_start3A_101 = tpu.memref_slice %arg5[%mul3A_100, %dma_start3A] : memref<4096x64xf32, #tpu.memory_space<hbm>> -> memref<128x64xf32, #tpu.memory_space<hbm>>
      %dma_start3A_102 = arith.constant 0 : i32
      %dma_start3A_103 = tpu.memref_slice %arg5[%mul3A_100, %dma_start3A_102] : memref<4096x64xf32, #tpu.memory_space<hbm>> -> memref<128x64xf32, #tpu.memory_space<hbm>>
      tpu.enqueue_dma source(%arg9 : memref<128x64xf32, #tpu.memory_space<vmem>>) target(%dma_start3A_103 : memref<128x64xf32, #tpu.memory_space<hbm>>) target_semaphore(%run_scoped3A : memref<!tpu.dma_semaphore, #tpu.memory_space<semaphore_mem>>)
      %dma_wait3A = arith.constant 0 : i32
      %dma_wait3A_104 = tpu.memref_slice %arg5[%mul3A_100, %dma_wait3A] : memref<4096x64xf32, #tpu.memory_space<hbm>> -> memref<128x64xf32, #tpu.memory_space<hbm>>
      %dma_wait3A_105 = arith.constant 0 : i32
      %dma_wait3A_106 = tpu.memref_slice %arg5[%mul3A_100, %dma_wait3A_105] : memref<4096x64xf32, #tpu.memory_space<hbm>> -> memref<128x64xf32, #tpu.memory_space<hbm>>
      tpu.wait_dma2 semaphore(%run_scoped3A : memref<!tpu.dma_semaphore, #tpu.memory_space<semaphore_mem>>) src(%arg9 : memref<128x64xf32, #tpu.memory_space<vmem>>) dst(%dma_wait3A_106 : memref<128x64xf32, #tpu.memory_space<hbm>>)
      tpu.yield
    }) : () -> ()
    return
  }
}

</mosaic_0001>

<sc_bundles>
// kernel: kernel.3.cloned.1.call-start
scs
__scs_entry_jumppad:
0x0: {  	(pc) =	sbr.rel $0x88, $3  }
0x1: {  	(tag) =	ssettag $0x0;
	lr =	simm.s32 $0x1  }
0x2: {  	[smem:$0x3F9E] =	sst lr;
	_ =	strace $0xD0000000  }
0x3: {  	_ = 	snop  }
0x4: {  	_ = 	snop  }
0x5: {  	_ = 	snop  }
0x6: {  	_ = 	snop  }
0x7: {  	_ = 	snop  }
__scs_overlays_trampoline_lowered:
0x8: {  	[smem:$0x3FAD] =	sst s0  }
0x9: {  	[smem:$0x3FAE] =	sst s1  }
0xa: {  	[smem:$0x3FAF] =	sst s2  }
0xb: {  	[smem:$0x3FB0] =	sst s3  }
0xc: {  	[smem:$0x3FB1] =	sst s4  }
0xd: {  	[smem:$0x3FB2] =	sst s5  }
0xe: {  	[smem:$0x3FB3] =	sst s6  }
0xf: {  	[smem:$0x3FB4] =	sst s7  }
0x10: {  	[smem:$0x3FB5] =	sst s8  }
0x11: {  	[smem:$0x3FB6] =	sst s9;
	s0 =	simm.s32 @!p0 $0x0  }
0x12: {  	s1 =	sld [smem:$0x3F9C];
	s0 =	simm.s32 @p0 $0x1  }
0x13: {  	[smem:$0x3FB7] =	sst s0;
	s0 =	simm.s32 @!p1 $0x0  }
0x14: {  	s2 =	sld [smem:$0x3F9B];
	s0 =	simm.s32 @p1 $0x1  }
0x15: {  	[smem:$0x3FB8] =	sst s0;
	s0 =	simm.s32 @!p2 $0x0  }
0x16: {  	s3 =	sld [smem:$0x3FDB];
	s0 =	simm.s32 @p2 $0x1  }
0x17: {  	s4 =	simm.s32 $0x1BF5;
	[smem:$0x3FBA] =	sst s0  }
0x18: {  	s0 =	sld [smem:$0x3F9D];
	_ =	swait.ge [sflag:s4], $0x0  }
0x19: {  	s7 =	sld [smem:$0x3F9E]  }
0x1a: {  	s8 =	sadd.s32 $0xFFFFE003, lr  }
0x1b: {  	s9 =	sadd.s32 $0xFFFFFEF7, lr;
	s5 =	simm.s32 $0xFFFFFFFF;
	p2 =	slt.u32 s8, $0xFFFFF086  }
0x1c: {  	p1 =	slt.u32 s9, $0xF7A;
	s5 =	simm.s32 @!p2 $0x0  }
0x1d: {  	s5 =	simm.s32 @p1 $0x1;
	p0 =	seq.s32 s7, s2  }
0x1e: {  	s7 =	smul.u32 @!p0 $0xF7A, s2;
	p2 =	seq.s32 @!p0 s5, $0x0  }
0x1f: {  	s9 =	smul.u32 $0xF7A, s1;
	s8 =	simm.s32 @!p0 $0x1BF5;
	p2 =	por !p2, p0  }
0x20: {  	[sflag:s8] =	ssyncset.s32 @!p0 $0xFFFFF086;
	s6 =	sadd.s32 @!p0 s3, s7;
	s7 =	simm.s32 @!p0 $0x108  }
0x21: {  	s3 =	sadd.s32 s3, s9;
	s6 =	sadd.s32 @!p0 $0x88, s6;
	s7 =	simm.s32 @p2 $0x1082  }
0x22: {  	[simem:s7], [sflag:s8] =	dma.local @!p0 [hbm:s6], $0xF7A  }
0x23: {  	s9 =	sor.u32 $0xD0000000, s2;
	s6 =	simm.s32 $0x108;
	_ =	swait.ge @!p0 [sflag:s8], $0x0  }
0x24: {  	s3 =	sadd.s32 $0x88, s3;
	s6 =	simm.s32 @!p1 $0x1082;
	[sflag:s4] =	ssyncset.s32 $0xFFFFF086  }
0x25: {  	[simem:s6], [sflag:s4] =	dma.local [hbm:s3], $0xF7A  }
0x26: {  	[smem:$0x3F9E] =	sst s1;
	(tag) =	ssettag s2;
	_ =	strace s9  }
0x27: {  	s1 =	sld [smem:$0x3FAE]  }
0x28: {  	s2 =	sld [smem:$0x3FAF]  }
0x29: {  	s4 =	sld [smem:$0x3FB1]  }
0x2a: {  	p0 =	seq.s32 s5, $0x0;
	s5 =	sld [smem:$0x3FB2]  }
0x2b: {  	s6 =	sld [smem:$0x3FB3]  }
0x2c: {  	s7 =	sld [smem:$0x3FB4]  }
0x2d: {  	s3 =	simm.s32 $0x108;
	s8 =	sld [smem:$0x3FB5]  }
0x2e: {  	s3 =	simm.s32 @!p0 $0x1082;
	s9 =	sld [smem:$0x3FB6]  }
0x2f: {  	lr =	sadd.s32 s0, s3;
	s0 =	sld [smem:$0x3FAD]  }
0x30: {  	s3 =	sld [smem:$0x3FB0]  }
0x31: {  	[smem:$0x3FB9] =	sst s10  }
0x32: {  	s10 =	sld [smem:$0x3FB7];
	_ =	sdelay $0x3  }
0x33: {  	p0 =	seq.s32 s10, $0x1;
	s10 =	sld [smem:$0x3FB9];
	_ =	sdelay $0x3  }
0x34: {  	[smem:$0x3FB9] =	sst s10  }
0x35: {  	s10 =	sld [smem:$0x3FB8];
	_ =	sdelay $0x3  }
0x36: {  	p1 =	seq.s32 s10, $0x1;
	s10 =	sld [smem:$0x3FB9];
	_ =	sdelay $0x3  }
0x37: {  	[smem:$0x3FB9] =	sst s10  }
0x38: {  	s10 =	sld [smem:$0x3FBA]  }
0x39: {  	_ = 	snop;
	(pc) =	sbr.ind lr, $3  }
0x3a: {  	_ = 	snop  }
0x3b: {  	_ = 	snop  }
0x3c: {  	p2 =	seq.s32 s10, $0x1;
	s10 =	sld [smem:$0x3FB9]  }
0x3d: {  	_ =	shalt  }
0x3e: {  	_ =	shalt  }
0x3f: {  	_ =	shalt  }
0x40: {  	_ =	shalt  }
0x41: {  	_ =	shalt  }
0x42: {  	_ =	shalt  }
0x43: {  	_ =	shalt  }
0x44: {  	_ =	shalt  }
0x45: {  	_ =	shalt  }
0x46: {  	_ =	shalt  }
0x47: {  	_ =	shalt  }
0x48: {  	_ =	shalt  }
0x49: {  	_ =	shalt  }
0x4a: {  	_ =	shalt  }
0x4b: {  	_ =	shalt  }
0x4c: {  	_ =	shalt  }
0x4d: {  	_ =	shalt  }
0x4e: {  	_ =	shalt  }
0x4f: {  	_ =	shalt  }
0x50: {  	_ =	shalt  }
0x51: {  	_ =	shalt  }
0x52: {  	_ =	shalt  }
0x53: {  	_ =	shalt  }
0x54: {  	_ =	shalt  }
0x55: {  	_ =	shalt  }
0x56: {  	_ =	shalt  }
0x57: {  	_ =	shalt  }
0x58: {  	_ =	shalt  }
0x59: {  	_ =	shalt  }
0x5a: {  	_ =	shalt  }
0x5b: {  	_ =	shalt  }
0x5c: {  	_ =	shalt  }
0x5d: {  	_ =	shalt  }
0x5e: {  	_ =	shalt  }
0x5f: {  	_ =	shalt  }
0x60: {  	_ =	shalt  }
0x61: {  	_ =	shalt  }
0x62: {  	_ =	shalt  }
0x63: {  	_ =	shalt  }
0x64: {  	_ =	shalt  }
0x65: {  	_ =	shalt  }
0x66: {  	_ =	shalt  }
0x67: {  	_ =	shalt  }
0x68: {  	_ =	shalt  }
0x69: {  	_ =	shalt  }
0x6a: {  	_ =	shalt  }
0x6b: {  	_ =	shalt  }
0x6c: {  	_ =	shalt  }
0x6d: {  	_ =	shalt  }
0x6e: {  	_ =	shalt  }
0x6f: {  	_ =	shalt  }
0x70: {  	_ =	shalt  }
0x71: {  	_ =	shalt  }
0x72: {  	_ =	shalt  }
0x73: {  	_ =	shalt  }
0x74: {  	_ =	shalt  }
0x75: {  	_ =	shalt  }
0x76: {  	_ =	shalt  }
0x77: {  	_ =	shalt  }
0x78: {  	_ =	shalt  }
0x79: {  	_ =	shalt  }
0x7a: {  	_ =	shalt  }
0x7b: {  	_ =	shalt  }
0x7c: {  	_ =	shalt  }
0x7d: {  	_ =	shalt  }
0x7e: {  	_ =	shalt  }
0x7f: {  	_ =	shalt  }
0x80: {  	_ =	shalt  }
0x81: {  	_ =	shalt  }
0x82: {  	_ =	shalt  }
0x83: {  	_ =	shalt  }
0x84: {  	_ =	shalt  }
0x85: {  	_ =	shalt  }
0x86: {  	_ =	shalt  }
0x87: {  	_ =	shalt  }
.Lfunc_end0:
.L_simem_size_0:
called_computation_lowered:
.L_overlay_start_0:
0x88: {  	s2 =	sld [smem:$0x3FD9]  }
0x89: {  	s3 =	sld [smem:$0x3FFE];
	_ =	sdelay $0x1  }
0x8a: {  	s1 =	srdreg.scid  }
0x8b: {  	s0 =	sand.u32 $0x1, s1  }
0x8c: {  	s17 =	sshll.u32 s0, $0xA;
	s2 =	sadd.s32 s3, s2  }
0x8d: {  	s2 =	sadd.s32 s2, s17  }
0x8e: {  	[smem:$0x3FC5] =	sst s2  }
0x8f: {  	_ = 	snop  }
0x90: {  	s2 =	sld [smem:$0x3FC8]  }
0x91: {  	s18 =	sld [smem:$0x3FD0];
	(tm) =	ssettm $0x1  }
0x92: {  	s4 =	sld [smem:$0x3FFB];
	_ =	sdelay $0x3  }
0x93: {  	_ =	strace s4  }
0x94: {  	s4 =	sld [smem:$0x3FFC];
	_ =	sdelay $0x3  }
0x95: {  	_ =	strace s4  }
0x96: {  	s4 =	sld [smem:$0x3FFD];
	_ =	sdelay $0x3  }
0x97: {  	_ =	strace s4  }
0x98: {  	_ =	strace $0x8FFFFFFF  }
0x99: {  	s19 =	sld [smem:$0x3FDB];
	_ =	sdelay $0x1  }
0x9a: {  	s5 =	simm.s32 $_scs_section_size  }
0x9b: {  	s6 =	simm.s32 $_size__tile_overlayer_lowered;
	s7 =	simm.s32 $_tile_overlayer_lowered  }
0x9c: {  	s22 =	simm.s32 $0x1BFF;
	s21 =	sshll.u32 s7, $0x1;
	s4 =	sadd.s32 s5, s19  }
0x9d: {  	s8 =	simm.s32 $0x0;
	s20 =	sshll.u32 s6, $0x1;
	s6 =	sadd.s32 s21, s4  }
0x9e: {  	[timem:s8], [sflag:s22] =	dma.local [hbm:s6], s20  }
0x9f: {  	_ =	swait.ge [sflag:s22], s20  }
0xa0: {  	s5 =	ssub.s32 $0x0, s20;
	[sflag:s22] =	ssyncset.done $0x0  }
0xa1: {  	[sflag:s22] =	ssyncadd.s32 s5;
	_ =	sdelay $0x1  }
0xa2: {  	s23 =	simm.s32 $0x1B8B  }
0xa3: {  	_ =	swait.ge [sflag:s23], $0x1  }
0xa4: {  	[sflag:s23] =	ssyncset.done $0x0  }
0xa5: {  	s25 =	simm.s32 $0x1B8E;
	s24 =	sld [smem:$0x3FFE];
	[sflag:s23] =	ssyncadd.s32 $0xFFFFFFFF  }
0xa6: {  	s26 =	simm.s32 $execute0_lowered;
	[smem:$0x3FD2] =	sst s25  }
0xa7: {  	s6 =	sshll.u32 s26, $0x1;
	_ =	strace $0x80000046;
	[dreg:$0x1] =	wrdreg $0xFFFFFFFF  }
0xa8: {  	s28 =	simm.s32 $_size_execute0_lowered;
	s4 =	sadd.s32 s4, s6;
	[dreg:$0x0] =	wrdreg $0x0  }
0xa9: {  	s6 =	sshll.u32 s28, $0x1;
	[dreg:$0x2] =	wrdreg s4  }
0xaa: {  	[dreg:$0x3] =	wrdreg s6  }
0xab: {  	[dreg:$0x4] =	wrdreg $0xC0  }
0xac: {  	_ =	task [dreg:s8], $0x5FFFF  }
0xad: {  	[dreg:$0x1] =	wrdreg $0xFFFFFFFF  }
0xae: {  	[dreg:$0x0] =	wrdreg $0x60  }
0xaf: {  	[dreg:$0x2] =	wrdreg s24  }
0xb0: {  	[dreg:$0x3] =	wrdreg s2  }
0xb1: {  	[dreg:$0x4] =	wrdreg s18  }
0xb2: {  	[dreg:$0x5] =	wrdreg $0x9  }
0xb3: {  	_ =	task.clear_ibuf [dreg:s8], $0x6FFFF;
	_ =	strace $0x90000046  }
0xb4: {  	s29 =	simm.s32 $0x9;
	_ =	strace $0x80000048  }
0xb5: {  	_ =	swait.ge [sflag:s29], $0x1  }
0xb6: {  	[sflag:s29] =	ssyncadd.s32 $0xFFFFFFFF  }
0xb7: {  	_ =	strace $0x90000048  }
0xb8: {  	_ =	sfence  }
0xb9: {  	s30 =	sld [smem:$0x0];
	_ =	sdelay $0x2  }
0xba: {  	s31 =	sshll.u32 s1, $0xD;
	s1 =	sshrl.u32 s1, $0x2  }
0xbb: {  	s3 =	sand.u32 $0x4000, s31;
	s1 =	sadd.s32 s1, s30  }
0xbc: {  	s0 =	sor.u32 s3, s0;
	s1 =	sshll.u32 s1, $0x11  }
0xbd: {  	s0 =	sor.u32 s1, s0  }
0xbe: {  	s0 =	sadd.s32 $0x8F2B, s0  }
0xbf: {  	[sflag:s0] =	ssyncadd.remote.s32 $0x1  }
0xc0: {  	_ =	sfence.sel $0xFFFF  }
0xc1: {  	[dreg:$0x0] =	wrdreg $0xFFFFFFFF;
	(pc) =	sbr.abs _section_cstart, $3  }
0xc2: {  	[dreg:$0x1] =	wrdreg $0xFFFFFFFF  }
0xc3: {  	_ =	task.clear_ibuf [dreg:s8], $0x2FFFF;
	_ =	strace $0x9FFFFFFF  }
0xc4: {  	(tm) =	ssettm $0x7FFFFFFF  }
0xc5: {  	_ =	shalt  }
tec
execute0_lowered:
.L_overlay_start_1:
0x0: {  	(tag) =	ssettag $0x1  }
0x1: {  	s4 =	rddreg [dreg:$0x0]  }
0x2: {  	s5 =	rddreg [dreg:$0x1]  }
0x3: {  	s6 =	rddreg [dreg:$0x2];
	s1 =	srdreg.scid  }
0x4: {  	s0 =	rddreg [dreg:$0x3];
	s2 =	simm.s32 $0x0;
	s11 =	simm.s32 $0x2  }
0x5: {  	s12 =	simm.s32 $0x1A900;
	s13 =	simm.s32 $0x0;
	s3 =	sand.u32 $0x1, s1  }
0x6: {  	[smem:$0x7FF] =	sst s2;
	s1 =	stileid.u32;
	s7 =	sshll.u32 s3, $0x4  }
0x7: {  	v0 =	vlaneseq.u32;
	_ =	strace $0x80000047;
	s8 =	ssub.s32 $0x2, s3;
	s3 =	sadd.s32 $0x186C00, s4  }
0x8: {  	v0 =	vshrl.u32 v0, $0x3;
	s4 =	sadd.s32 $0x1B7A00, s4;
	s7 =	sor.u32 s1, s7;
	s9 =	sshrl.u32 s8, $0x1  }
0x9: {  	v0 =	vmul.u32 $0x4, v0;
	s10 =	smul.u32 $0x320, s7;
	s8 =	ssub.s32 s8, s9;
	s7 =	sshll.u32 s7, $0xA  }
0xa: {  	s9 =	simm.s32 $0x40;
	s6 =	sadd.s32 s6, s7;
	s7 =	smax.u32 s8, $0x1  }
0xb: {  	v1 =	vor.u32 $0x8, v0;
	v2 =	vor.u32 $0x10, v0;
	v3 =	vor.u32 $0x18, v0;
	s8 =	simm.s32 $0x3;
	s5 =	sadd.s32 s5, s10;
	s10 =	simm.s32 $0x1  }
.LBB2_1:
0xc: {  	[tilespmem:s2], [sflag:$0x3] =	stream.linear.gather [hbm4b:s5+s2], $0x1900, $0x38;
	[tilespmem:$0x1C900] =	vst v63  }
0xd: {  	_ =	swait.ge [sflag:s8], $0x1900  }
0xe: {  	[sflag:s8] =	ssyncset.done $0x0  }
0xf: {  	s14 =	simm.s32 $0x1900;
	[sflag:s8] =	ssyncadd.s32 $0xFFFFE700  }
0x10: {  	[tilespmem:s14], [sflag:$0x1] =	stream.indirect.gather [hbm4b:s3+s9], $0x10, s2, s9, $0xb8;
	[tilespmem:$0x1C900] =	vst v63  }
0x11: {  	s31 =	simm.s32 $0xE100;
	s15 =	simm.s32 $0x0;
	s14 =	simm.s32 $0x1000  }
0x12: {  	[tilespmem:s31], [sflag:$0x1] =	stream.indirect.gather [hbm4b:s4+s9], $0x10, s2, s9, $0xb8;
	[tilespmem:$0x1C900] =	vst v63  }
.LBB2_2:
0x13: {  	p0 =	sne.s32 s14, $0x18000  }
.Ltmp0:
0x14: {  	s16 =	sshra.s32 s14, $0x2;
	s14 =	sadd.s32 $0x1000, s14;
	(pc) =	sbr.rel @p0 .LBB2_2-.Ltmp0, $4  }
0x15: {  	s15 =	sadd.s32 $0x40, s15;
	s17 =	sadd.s32 $0x1900, s16  }
0x16: {  	[tilespmem:s17], [sflag:$0x1] =	stream.indirect.gather [hbm4b:s3+s9], $0x10, s15, s9, $0xb8;
	[tilespmem:$0x1C900] =	vst v63  }
0x17: {  	s16 =	sadd.s32 $0xE100, s16  }
0x18: {  	[tilespmem:s16], [sflag:$0x1] =	stream.indirect.gather [hbm4b:s4+s9], $0x10, s15, s9, $0xb8;
	[tilespmem:$0x1C900] =	vst v63  }
0x19: {  	s14 =	simm.s32 $0x640;
	s15 =	simm.s32 $0x7D00  }
0x1a: {  	[tilespmem:s15], [sflag:$0x2] =	stream.indirect.gather [hbm4b:s3+s9], $0x10, s14, s9, $0xb8;
	[tilespmem:$0x1C900] =	vst v63  }
0x1b: {  	s31 =	simm.s32 $0x14500;
	s15 =	simm.s32 $0x1000  }
0x1c: {  	[tilespmem:s31], [sflag:$0x2] =	stream.indirect.gather [hbm4b:s4+s9], $0x10, s14, s9, $0xb8;
	[tilespmem:$0x1C900] =	vst v63  }
.LBB2_4:
0x1d: {  	p0 =	sne.s32 s15, $0x18000  }
.Ltmp1:
0x1e: {  	s16 =	sshra.s32 s15, $0x2;
	s15 =	sadd.s32 $0x1000, s15;
	(pc) =	sbr.rel @p0 .LBB2_4-.Ltmp1, $4  }
0x1f: {  	s14 =	sadd.s32 $0x40, s14;
	s17 =	sadd.s32 $0x7D00, s16  }
0x20: {  	[tilespmem:s17], [sflag:$0x2] =	stream.indirect.gather [hbm4b:s3+s9], $0x10, s14, s9, $0xb8;
	[tilespmem:$0x1C900] =	vst v63  }
0x21: {  	s16 =	sadd.s32 $0x14500, s16  }
0x22: {  	[tilespmem:s16], [sflag:$0x2] =	stream.indirect.gather [hbm4b:s4+s9], $0x10, s14, s9, $0xb8;
	[tilespmem:$0x1C900] =	vst v63  }
0x23: {  	_ =	swait.ge [sflag:s10], $0x400  }
0x24: {  	[sflag:s10] =	ssyncset.done $0x0  }
0x25: {  	[sflag:s10] =	ssyncadd.s32 $0xFFFFFC00  }
0x26: {  	_ =	swait.ge [sflag:s10], $0x400  }
0x27: {  	s14 =	simm.s32 $0x18;
	[sflag:s10] =	ssyncset.done $0x0  }
.LBB2_6:
0x28: {  	p0 =	sne.s32 s14, $0x1;
	s14 =	sadd.s32 $0xFFFFFFFF, s14;
	[sflag:s10] =	ssyncadd.s32 $0xFFFFFC00  }
.Ltmp2:
0x29: {  	_ =	swait.ge [sflag:s10], $0x400;
	(pc) =	sbr.rel @p0 .LBB2_6-.Ltmp2, $4  }
0x2a: {  	[sflag:s10] =	ssyncset.done $0x0  }
0x2b: {  	[sflag:s10] =	ssyncadd.s32 $0xFFFFFC00  }
0x2c: {  	_ =	swait.ge [sflag:s10], $0x400  }
0x2d: {  	[sflag:s10] =	ssyncset.done $0x0  }
0x2e: {  	[sflag:s10] =	ssyncadd.s32 $0xFFFFFC00  }
0x2f: {  	s17 =	simm.s32 $0x0;
	s14 =	simm.s32 $0x1900;
	s15 =	simm.s32 $0xE100  }
.LBB2_8:
0x30: {  	v6 =	vmov s14  }
0x31: {  	v8 =	vmov s15;
	_ =	sdelay $0x2  }
0x32: {  	s18 =	simm.s32 $0x0  }
0x33: {  	v7 =	vld.idx.msk [tilespmem:v6+s18+$0x0 ss:$0x1], $0xffff  }
0x34: {  	v10 =	vld.idx.msk [tilespmem:v8+s18+$0x0 ss:$0x1], $0xffff;
	_ =	sdelay $0x1  }
0x35: {  	v5 =	vimm.f32 $0.0e+00  }
0x36: {  	v4 =	vimm.f32 $0.0e+00;
	v11 =	vimm.f32 $0.0e+00;
	v9 =	vimm.f32 $0.0e+00  }
0x37: {  	s16 =	sadd.s32 $0x1, s17;
	s19 =	simm.s32 $0x10;
	s18 =	simm.s32 $0x80;
	v13 =	vshrl.u32 v7, v0;
	v12 =	vshrl.u32 v7, v1;
	v14 =	vshrl.u32 v7, v3  }
.LBB2_9:
0x38: {  	p0 =	sne.s32 s18, $0xC40;
	v15 =	vshrl.u32 v7, v2;
	v7 =	vld.idx.msk [tilespmem:v6+s19+$0x0 ss:$0x1], $0xffff;
	v13 =	vperm.xlane v10, v13;
	v14 =	vperm.xlane v10, v14  }
0x39: {  	v12 =	vperm.xlane v10, v12;
	v15 =	vperm.xlane v10, v15;
	v10 =	vld.idx.msk [tilespmem:v8+s19+$0x0 ss:$0x1], $0xffff  }
.Ltmp3:
0x3a: {  	v5 =	vadd.f32 v13, v5;
	v4 =	vadd.f32 v14, v4;
	(pc) =	sbr.rel @p0 .LBB2_9-.Ltmp3, $2  }
0x3b: {  	v11 =	vadd.f32 v12, v11;
	v9 =	vadd.f32 v15, v9;
	_ =	sdelay $0x2  }
0x3c: {  	s19 =	sshra.s32 s18, $0x2;
	s18 =	sadd.s32 $0x40, s18;
	v13 =	vshrl.u32 v7, v0;
	v12 =	vshrl.u32 v7, v1;
	v14 =	vshrl.u32 v7, v3  }
0x3d: {  	_ =	sdelay $0x3  }
0x3e: {  	v6 =	vld.idx.msk [tilespmem:v6+s19+$0x0 ss:$0x1], $0xffff  }
0x3f: {  	v8 =	vld.idx.msk [tilespmem:v8+s19+$0x0 ss:$0x1], $0xffff;
	_ =	sdelay $0x1  }
0x40: {  	v13 =	vperm.xlane v10, v13  }
0x41: {  	v7 =	vshrl.u32 v7, v2;
	v14 =	vperm.xlane v10, v14;
	v12 =	vperm.xlane v10, v12  }
0x42: {  	v7 =	vperm.xlane v10, v7;
	v5 =	vadd.f32 v13, v5;
	v60 =	vshrl.u32 v6, v0  }
0x43: {  	v11 =	vadd.f32 v12, v11;
	v61 =	vshrl.u32 v6, v1;
	v10 =	vperm.xlane v8, v60  }
0x44: {  	v7 =	vadd.f32 v7, v9;
	v62 =	vshrl.u32 v6, v2;
	v12 =	vperm.xlane v8, v61  }
0x45: {  	s17 =	sshll.u32 s17, $0x6;
	p0 =	sne.s32 s16, $0x20;
	v6 =	vshrl.u32 v6, v3;
	v9 =	vperm.xlane v8, v62;
	v5 =	vadd.f32 v10, v5  }
.Ltmp4:
0x46: {  	s17 =	sand.u32 $0x3FFFFFC0, s17;
	v4 =	vadd.f32 v14, v4;
	v6 =	vperm.xlane v8, v6;
	v63 =	vadd.f32 v12, v11;
	(pc) =	sbr.rel @p0 .LBB2_8-.Ltmp4, $4  }
0x47: {  	v7 =	vadd.f32 v9, v7;
	[tilespmem:s17+$0x1A900] =	vst v5  }
0x48: {  	v4 =	vadd.f32 v6, v4;
	[tilespmem:s17+$0x1A910] =	vst v63  }
0x49: {  	[tilespmem:s17+$0x1A920] =	vst v7  }
0x4a: {  	s14 =	sadd.s32 $0x320, s14;
	s15 =	sadd.s32 $0x320, s15;
	[tilespmem:s17+$0x1A930] =	vst v4;
	s17 =	smov.u32 s16  }
0x4b: {  	s14 =	simm.s32 $0xC80;
	s15 =	simm.s32 $0x1900  }
0x4c: {  	[tilespmem:s15], [sflag:$0x1] =	stream.indirect.gather [hbm4b:s3+s9], $0x10, s14, s9, $0xb8;
	[tilespmem:$0x1C900] =	vst v63  }
0x4d: {  	s31 =	simm.s32 $0xE100;
	s15 =	simm.s32 $0x1000  }
0x4e: {  	[tilespmem:s31], [sflag:$0x1] =	stream.indirect.gather [hbm4b:s4+s9], $0x10, s14, s9, $0xb8;
	[tilespmem:$0x1C900] =	vst v63  }
.LBB2_12:
0x4f: {  	p0 =	sne.s32 s15, $0x18000  }
.Ltmp5:
0x50: {  	s16 =	sshra.s32 s15, $0x2;
	s15 =	sadd.s32 $0x1000, s15;
	(pc) =	sbr.rel @p0 .LBB2_12-.Ltmp5, $4  }
0x51: {  	s14 =	sadd.s32 $0x40, s14;
	s17 =	sadd.s32 $0x1900, s16  }
0x52: {  	[tilespmem:s17], [sflag:$0x1] =	stream.indirect.gather [hbm4b:s3+s9], $0x10, s14, s9, $0xb8;
	[tilespmem:$0x1C900] =	vst v63  }
0x53: {  	s16 =	sadd.s32 $0xE100, s16  }
0x54: {  	[tilespmem:s16], [sflag:$0x1] =	stream.indirect.gather [hbm4b:s4+s9], $0x10, s14, s9, $0xb8;
	[tilespmem:$0x1C900] =	vst v63  }
0x55: {  	_ =	swait.ge [sflag:s11], $0x400  }
0x56: {  	[sflag:s11] =	ssyncset.done $0x0  }
0x57: {  	[sflag:s11] =	ssyncadd.s32 $0xFFFFFC00  }
0x58: {  	_ =	swait.ge [sflag:s11], $0x400  }
0x59: {  	s14 =	simm.s32 $0x18;
	[sflag:s11] =	ssyncset.done $0x0  }
.LBB2_14:
0x5a: {  	p0 =	sne.s32 s14, $0x1;
	s14 =	sadd.s32 $0xFFFFFFFF, s14;
	[sflag:s11] =	ssyncadd.s32 $0xFFFFFC00  }
.Ltmp6:
0x5b: {  	_ =	swait.ge [sflag:s11], $0x400;
	(pc) =	sbr.rel @p0 .LBB2_14-.Ltmp6, $4  }
0x5c: {  	[sflag:s11] =	ssyncset.done $0x0  }
0x5d: {  	[sflag:s11] =	ssyncadd.s32 $0xFFFFFC00  }
0x5e: {  	_ =	swait.ge [sflag:s11], $0x400  }
0x5f: {  	[sflag:s11] =	ssyncset.done $0x0  }
0x60: {  	[sflag:s11] =	ssyncadd.s32 $0xFFFFFC00  }
0x61: {  	s17 =	simm.s32 $0x0;
	s14 =	simm.s32 $0x14500;
	s15 =	simm.s32 $0x7D00  }
.LBB2_16:
0x62: {  	v6 =	vmov s15  }
0x63: {  	v8 =	vmov s14;
	_ =	sdelay $0x2  }
0x64: {  	s18 =	simm.s32 $0x0  }
0x65: {  	v7 =	vld.idx.msk [tilespmem:v6+s18+$0x0 ss:$0x1], $0xffff  }
0x66: {  	v10 =	vld.idx.msk [tilespmem:v8+s18+$0x0 ss:$0x1], $0xffff;
	_ =	sdelay $0x1  }
0x67: {  	v5 =	vimm.f32 $0.0e+00  }
0x68: {  	v4 =	vimm.f32 $0.0e+00;
	v11 =	vimm.f32 $0.0e+00;
	v9 =	vimm.f32 $0.0e+00  }
0x69: {  	s16 =	sadd.s32 $0x1, s17;
	s19 =	simm.s32 $0x10;
	s18 =	simm.s32 $0x80;
	v13 =	vshrl.u32 v7, v0;
	v12 =	vshrl.u32 v7, v1;
	v14 =	vshrl.u32 v7, v3  }
.LBB2_17:
0x6a: {  	p0 =	sne.s32 s18, $0xC40;
	v15 =	vshrl.u32 v7, v2;
	v7 =	vld.idx.msk [tilespmem:v6+s19+$0x0 ss:$0x1], $0xffff;
	v13 =	vperm.xlane v10, v13;
	v14 =	vperm.xlane v10, v14  }
0x6b: {  	v12 =	vperm.xlane v10, v12;
	v15 =	vperm.xlane v10, v15;
	v10 =	vld.idx.msk [tilespmem:v8+s19+$0x0 ss:$0x1], $0xffff  }
.Ltmp7:
0x6c: {  	v5 =	vadd.f32 v13, v5;
	v4 =	vadd.f32 v14, v4;
	(pc) =	sbr.rel @p0 .LBB2_17-.Ltmp7, $2  }
0x6d: {  	v11 =	vadd.f32 v12, v11;
	v9 =	vadd.f32 v15, v9;
	_ =	sdelay $0x2  }
0x6e: {  	s19 =	sshra.s32 s18, $0x2;
	s18 =	sadd.s32 $0x40, s18;
	v13 =	vshrl.u32 v7, v0;
	v12 =	vshrl.u32 v7, v1;
	v14 =	vshrl.u32 v7, v3  }
0x6f: {  	_ =	sdelay $0x3  }
0x70: {  	v6 =	vld.idx.msk [tilespmem:v6+s19+$0x0 ss:$0x1], $0xffff  }
0x71: {  	v8 =	vld.idx.msk [tilespmem:v8+s19+$0x0 ss:$0x1], $0xffff;
	_ =	sdelay $0x1  }
0x72: {  	v13 =	vperm.xlane v10, v13  }
0x73: {  	v7 =	vshrl.u32 v7, v2;
	v14 =	vperm.xlane v10, v14;
	v12 =	vperm.xlane v10, v12  }
0x74: {  	v7 =	vperm.xlane v10, v7;
	v5 =	vadd.f32 v13, v5;
	v60 =	vshrl.u32 v6, v0  }
0x75: {  	v11 =	vadd.f32 v12, v11;
	v61 =	vshrl.u32 v6, v1;
	v10 =	vperm.xlane v8, v60  }
0x76: {  	v7 =	vadd.f32 v7, v9;
	v62 =	vshrl.u32 v6, v2;
	v12 =	vperm.xlane v8, v61  }
0x77: {  	s17 =	sshll.u32 s17, $0x6;
	p0 =	sne.s32 s16, $0x20;
	v6 =	vshrl.u32 v6, v3;
	v9 =	vperm.xlane v8, v62;
	v5 =	vadd.f32 v10, v5  }
.Ltmp8:
0x78: {  	s17 =	sand.u32 $0x3FFFFFC0, s17;
	v4 =	vadd.f32 v14, v4;
	v6 =	vperm.xlane v8, v6;
	v63 =	vadd.f32 v12, v11;
	(pc) =	sbr.rel @p0 .LBB2_16-.Ltmp8, $4  }
0x79: {  	v7 =	vadd.f32 v9, v7;
	[tilespmem:s17+$0x1B100] =	vst v5  }
0x7a: {  	v4 =	vadd.f32 v6, v4;
	[tilespmem:s17+$0x1B110] =	vst v63  }
0x7b: {  	[tilespmem:s17+$0x1B120] =	vst v7  }
0x7c: {  	s14 =	sadd.s32 $0x320, s14;
	s15 =	sadd.s32 $0x320, s15;
	[tilespmem:s17+$0x1B130] =	vst v4;
	s17 =	smov.u32 s16  }
0x7d: {  	s14 =	simm.s32 $0x12C0;
	s15 =	simm.s32 $0x7D00  }
0x7e: {  	[tilespmem:s15], [sflag:$0x2] =	stream.indirect.gather [hbm4b:s3+s9], $0x10, s14, s9, $0xb8;
	[tilespmem:$0x1C900] =	vst v63  }
0x7f: {  	s31 =	simm.s32 $0x14500;
	s15 =	simm.s32 $0x1000  }
0x80: {  	[tilespmem:s31], [sflag:$0x2] =	stream.indirect.gather [hbm4b:s4+s9], $0x10, s14, s9, $0xb8;
	[tilespmem:$0x1C900] =	vst v63  }
.LBB2_20:
0x81: {  	p0 =	sne.s32 s15, $0x18000  }
.Ltmp9:
0x82: {  	s16 =	sshra.s32 s15, $0x2;
	s15 =	sadd.s32 $0x1000, s15;
	(pc) =	sbr.rel @p0 .LBB2_20-.Ltmp9, $4  }
0x83: {  	s14 =	sadd.s32 $0x40, s14;
	s17 =	sadd.s32 $0x7D00, s16  }
0x84: {  	[tilespmem:s17], [sflag:$0x2] =	stream.indirect.gather [hbm4b:s3+s9], $0x10, s14, s9, $0xb8;
	[tilespmem:$0x1C900] =	vst v63  }
0x85: {  	s16 =	sadd.s32 $0x14500, s16  }
0x86: {  	[tilespmem:s16], [sflag:$0x2] =	stream.indirect.gather [hbm4b:s4+s9], $0x10, s14, s9, $0xb8;
	[tilespmem:$0x1C900] =	vst v63  }
0x87: {  	_ =	swait.ge [sflag:s10], $0x400  }
0x88: {  	[sflag:s10] =	ssyncset.done $0x0  }
0x89: {  	[sflag:s10] =	ssyncadd.s32 $0xFFFFFC00  }
0x8a: {  	_ =	swait.ge [sflag:s10], $0x400  }
0x8b: {  	s14 =	simm.s32 $0x18;
	[sflag:s10] =	ssyncset.done $0x0  }
.LBB2_22:
0x8c: {  	p0 =	sne.s32 s14, $0x1;
	s14 =	sadd.s32 $0xFFFFFFFF, s14;
	[sflag:s10] =	ssyncadd.s32 $0xFFFFFC00  }
.Ltmp10:
0x8d: {  	_ =	swait.ge [sflag:s10], $0x400;
	(pc) =	sbr.rel @p0 .LBB2_22-.Ltmp10, $4  }
0x8e: {  	[sflag:s10] =	ssyncset.done $0x0  }
0x8f: {  	[sflag:s10] =	ssyncadd.s32 $0xFFFFFC00  }
0x90: {  	_ =	swait.ge [sflag:s10], $0x400  }
0x91: {  	[sflag:s10] =	ssyncset.done $0x0  }
0x92: {  	[sflag:s10] =	ssyncadd.s32 $0xFFFFFC00  }
0x93: {  	s17 =	simm.s32 $0x0;
	s14 =	simm.s32 $0x1900;
	s15 =	simm.s32 $0xE100  }
.LBB2_24:
0x94: {  	v6 =	vmov s14  }
0x95: {  	v8 =	vmov s15;
	_ =	sdelay $0x2  }
0x96: {  	s18 =	simm.s32 $0x0  }
0x97: {  	v7 =	vld.idx.msk [tilespmem:v6+s18+$0x0 ss:$0x1], $0xffff  }
0x98: {  	v10 =	vld.idx.msk [tilespmem:v8+s18+$0x0 ss:$0x1], $0xffff;
	_ =	sdelay $0x1  }
0x99: {  	v5 =	vimm.f32 $0.0e+00  }
0x9a: {  	v4 =	vimm.f32 $0.0e+00;
	v11 =	vimm.f32 $0.0e+00;
	v9 =	vimm.f32 $0.0e+00  }
0x9b: {  	s16 =	sadd.s32 $0x1, s17;
	s19 =	simm.s32 $0x10;
	s18 =	simm.s32 $0x80;
	v13 =	vshrl.u32 v7, v0;
	v12 =	vshrl.u32 v7, v1;
	v14 =	vshrl.u32 v7, v3  }
.LBB2_25:
0x9c: {  	p0 =	sne.s32 s18, $0xC40;
	v15 =	vshrl.u32 v7, v2;
	v7 =	vld.idx.msk [tilespmem:v6+s19+$0x0 ss:$0x1], $0xffff;
	v13 =	vperm.xlane v10, v13;
	v14 =	vperm.xlane v10, v14  }
0x9d: {  	v12 =	vperm.xlane v10, v12;
	v15 =	vperm.xlane v10, v15;
	v10 =	vld.idx.msk [tilespmem:v8+s19+$0x0 ss:$0x1], $0xffff  }
.Ltmp11:
0x9e: {  	v5 =	vadd.f32 v13, v5;
	v4 =	vadd.f32 v14, v4;
	(pc) =	sbr.rel @p0 .LBB2_25-.Ltmp11, $2  }
0x9f: {  	v11 =	vadd.f32 v12, v11;
	v9 =	vadd.f32 v15, v9;
	_ =	sdelay $0x2  }
0xa0: {  	s19 =	sshra.s32 s18, $0x2;
	s18 =	sadd.s32 $0x40, s18;
	v13 =	vshrl.u32 v7, v0;
	v12 =	vshrl.u32 v7, v1;
	v14 =	vshrl.u32 v7, v3  }
0xa1: {  	_ =	sdelay $0x3  }
0xa2: {  	v6 =	vld.idx.msk [tilespmem:v6+s19+$0x0 ss:$0x1], $0xffff  }
0xa3: {  	v8 =	vld.idx.msk [tilespmem:v8+s19+$0x0 ss:$0x1], $0xffff;
	_ =	sdelay $0x1  }
0xa4: {  	v13 =	vperm.xlane v10, v13  }
0xa5: {  	v7 =	vshrl.u32 v7, v2;
	v14 =	vperm.xlane v10, v14;
	v12 =	vperm.xlane v10, v12  }
0xa6: {  	v7 =	vperm.xlane v10, v7;
	v5 =	vadd.f32 v13, v5;
	v60 =	vshrl.u32 v6, v0  }
0xa7: {  	v11 =	vadd.f32 v12, v11;
	v61 =	vshrl.u32 v6, v1;
	v10 =	vperm.xlane v8, v60  }
0xa8: {  	v7 =	vadd.f32 v7, v9;
	v62 =	vshrl.u32 v6, v2;
	v12 =	vperm.xlane v8, v61  }
0xa9: {  	s17 =	sshll.u32 s17, $0x6;
	p0 =	sne.s32 s16, $0x20;
	v6 =	vshrl.u32 v6, v3;
	v9 =	vperm.xlane v8, v62;
	v5 =	vadd.f32 v10, v5  }
.Ltmp12:
0xaa: {  	s17 =	sand.u32 $0x3FFFFFC0, s17;
	v4 =	vadd.f32 v14, v4;
	v6 =	vperm.xlane v8, v6;
	v63 =	vadd.f32 v12, v11;
	(pc) =	sbr.rel @p0 .LBB2_24-.Ltmp12, $4  }
0xab: {  	v7 =	vadd.f32 v9, v7;
	[tilespmem:s17+$0x1B900] =	vst v5  }
0xac: {  	v4 =	vadd.f32 v6, v4;
	[tilespmem:s17+$0x1B910] =	vst v63  }
0xad: {  	[tilespmem:s17+$0x1B920] =	vst v7  }
0xae: {  	s14 =	sadd.s32 $0x320, s14;
	s15 =	sadd.s32 $0x320, s15;
	[tilespmem:s17+$0x1B930] =	vst v4;
	s17 =	smov.u32 s16  }
0xaf: {  	_ =	swait.ge [sflag:s11], $0x400  }
0xb0: {  	[sflag:s11] =	ssyncset.done $0x0  }
0xb1: {  	[sflag:s11] =	ssyncadd.s32 $0xFFFFFC00  }
0xb2: {  	_ =	swait.ge [sflag:s11], $0x400  }
0xb3: {  	s14 =	simm.s32 $0x18;
	[sflag:s11] =	ssyncset.done $0x0  }
.LBB2_28:
0xb4: {  	p0 =	sne.s32 s14, $0x1;
	s14 =	sadd.s32 $0xFFFFFFFF, s14;
	[sflag:s11] =	ssyncadd.s32 $0xFFFFFC00  }
.Ltmp13:
0xb5: {  	_ =	swait.ge [sflag:s11], $0x400;
	(pc) =	sbr.rel @p0 .LBB2_28-.Ltmp13, $4  }
0xb6: {  	[sflag:s11] =	ssyncset.done $0x0  }
0xb7: {  	[sflag:s11] =	ssyncadd.s32 $0xFFFFFC00  }
0xb8: {  	_ =	swait.ge [sflag:s11], $0x400  }
0xb9: {  	[sflag:s11] =	ssyncset.done $0x0  }
0xba: {  	[sflag:s11] =	ssyncadd.s32 $0xFFFFFC00  }
0xbb: {  	s16 =	simm.s32 $0x0;
	s14 =	simm.s32 $0x14500;
	s15 =	simm.s32 $0x7D00  }
.LBB2_30:
0xbc: {  	v6 =	vmov s15  }
0xbd: {  	v8 =	vmov s14;
	_ =	sdelay $0x2  }
0xbe: {  	s18 =	simm.s32 $0x0  }
0xbf: {  	v7 =	vld.idx.msk [tilespmem:v6+s18+$0x0 ss:$0x1], $0xffff  }
0xc0: {  	v10 =	vld.idx.msk [tilespmem:v8+s18+$0x0 ss:$0x1], $0xffff;
	_ =	sdelay $0x1  }
0xc1: {  	v5 =	vimm.f32 $0.0e+00  }
0xc2: {  	v4 =	vimm.f32 $0.0e+00;
	v11 =	vimm.f32 $0.0e+00;
	v9 =	vimm.f32 $0.0e+00  }
0xc3: {  	s17 =	sadd.s32 $0x1, s16;
	s19 =	simm.s32 $0x10;
	s18 =	simm.s32 $0x80;
	v13 =	vshrl.u32 v7, v0;
	v12 =	vshrl.u32 v7, v1;
	v14 =	vshrl.u32 v7, v3  }
.LBB2_31:
0xc4: {  	p0 =	sne.s32 s18, $0xC40;
	v15 =	vshrl.u32 v7, v2;
	v7 =	vld.idx.msk [tilespmem:v6+s19+$0x0 ss:$0x1], $0xffff;
	v13 =	vperm.xlane v10, v13;
	v14 =	vperm.xlane v10, v14  }
0xc5: {  	v12 =	vperm.xlane v10, v12;
	v15 =	vperm.xlane v10, v15;
	v10 =	vld.idx.msk [tilespmem:v8+s19+$0x0 ss:$0x1], $0xffff  }
.Ltmp14:
0xc6: {  	v5 =	vadd.f32 v13, v5;
	v4 =	vadd.f32 v14, v4;
	(pc) =	sbr.rel @p0 .LBB2_31-.Ltmp14, $2  }
0xc7: {  	v11 =	vadd.f32 v12, v11;
	v9 =	vadd.f32 v15, v9;
	_ =	sdelay $0x2  }
0xc8: {  	s19 =	sshra.s32 s18, $0x2;
	s18 =	sadd.s32 $0x40, s18;
	v13 =	vshrl.u32 v7, v0;
	v12 =	vshrl.u32 v7, v1;
	v14 =	vshrl.u32 v7, v3  }
0xc9: {  	_ =	sdelay $0x3  }
0xca: {  	v6 =	vld.idx.msk [tilespmem:v6+s19+$0x0 ss:$0x1], $0xffff  }
0xcb: {  	v8 =	vld.idx.msk [tilespmem:v8+s19+$0x0 ss:$0x1], $0xffff;
	_ =	sdelay $0x1  }
0xcc: {  	v13 =	vperm.xlane v10, v13  }
0xcd: {  	v7 =	vshrl.u32 v7, v2;
	v14 =	vperm.xlane v10, v14;
	v12 =	vperm.xlane v10, v12  }
0xce: {  	v7 =	vperm.xlane v10, v7;
	v5 =	vadd.f32 v13, v5;
	v60 =	vshrl.u32 v6, v0  }
0xcf: {  	v11 =	vadd.f32 v12, v11;
	v61 =	vshrl.u32 v6, v1;
	v10 =	vperm.xlane v8, v60  }
0xd0: {  	v7 =	vadd.f32 v7, v9;
	v62 =	vshrl.u32 v6, v2;
	v12 =	vperm.xlane v8, v61  }
0xd1: {  	s16 =	sshll.u32 s16, $0x6;
	p0 =	sne.s32 s17, $0x20;
	v6 =	vshrl.u32 v6, v3;
	v9 =	vperm.xlane v8, v62;
	v5 =	vadd.f32 v10, v5  }
.Ltmp15:
0xd2: {  	s16 =	sand.u32 $0x3FFFFFC0, s16;
	v4 =	vadd.f32 v14, v4;
	v6 =	vperm.xlane v8, v6;
	v63 =	vadd.f32 v12, v11;
	(pc) =	sbr.rel @p0 .LBB2_30-.Ltmp15, $4  }
0xd3: {  	v7 =	vadd.f32 v9, v7;
	[tilespmem:s16+$0x1C100] =	vst v5  }
0xd4: {  	v4 =	vadd.f32 v6, v4;
	[tilespmem:s16+$0x1C110] =	vst v63  }
0xd5: {  	[tilespmem:s16+$0x1C120] =	vst v7  }
0xd6: {  	s14 =	sadd.s32 $0x320, s14;
	s15 =	sadd.s32 $0x320, s15;
	[tilespmem:s16+$0x1C130] =	vst v4;
	s16 =	smov.u32 s17  }
0xd7: {  	s13 =	sadd.s32 $0x1, s13  }
0xd8: {  	p0 =	sne.s32 s13, s7  }
.Ltmp16:
0xd9: {  	_ = 	snop;
	(pc) =	sbr.rel @p0 .LBB2_1-.Ltmp16, $4  }
0xda: {  	[hbm4b:s6+s2] =	stream.linear.scatter [tilespmem:s12], [sflag:$0x3], $0x2000, $0x38;
	[tilespmem:$0x1C900] =	vst v63  }
0xdb: {  	_ =	swait.ge [sflag:s8], $0x2000  }
0xdc: {  	[sflag:s8] =	ssyncset.done $0x0  }
0xdd: {  	[sflag:s8] =	ssyncadd.s32 $0xFFFFE000  }
0xde: {  	_ =	sfence.sel $0x180000  }
0xdf: {  	[bflag:$0x0] =	sbarrier.arrive $0xFFFF  }
0xe0: {  	p0 =	sne.s32 s1, $0x0;
	_ =	strace $0x90000047  }
0xe1: {  	s0 =	sadd.s32 @!p0 $0x100000, s0;
	[bflag:$0x2] =	sbarrier.arrive $0xFFFF  }
0xe2: {  	[sflag:s0] =	ssyncadd.tile.s32 @!p0 $0x1;
	_ =	shalt  }
.Lfunc_end2:
_tile_overlayer_lowered:
.L_overlay_start_2:
0xe3: {  	(tag) =	ssettag $0x2  }
0xe4: {  	s0 =	rddreg [dreg:$0x0];
	s2 =	stileid.u32  }
0xe5: {  	s1 =	rddreg [dreg:$0x1];
	p0 =	sne.s32 s2, $0x0  }
0xe6: {  	s3 =	rddreg [dreg:$0x2];
	[bflag:$0x3] =	sbarrier.arrive $0xFFFF;
	s2 =	simm.s32 @!p0 $0x1C03  }
0xe7: {  	[timem:s3], [sflag:s2] =	dma.local @!p0 [hbm:s0], s1  }
0xe8: {  	s0 =	simm.s32 @!p0 $0x3  }
0xe9: {  	_ =	swait.ge @!p0 [sflag:s0], s1  }
0xea: {  	s1 =	ssub.s32 @!p0 $0x0, s1;
	[sflag:s0] =	ssyncset.done @!p0 $0x0  }
0xeb: {  	[sflag:s0] =	ssyncadd.s32 @!p0 s1  }
0xec: {  	[bflag:$0x3] =	sbarrier.arrive $0xFFFF  }
0xed: {  	_ =	shalt  }

</sc_bundles>
